<compile_context>
chip_gen: v7x
topology: tpu7x:2x2x1
jax: 0.10.2.dev20260603
libtpu: 0.0.44.dev20260713+nightly
codegen_flags: <defaults>
</compile_context>

<pallas_src>
import functools
import jax
import jax.numpy as jnp
from jax import lax
from jax.experimental import pallas as pl
from jax.experimental.pallas import tpu as pltpu
from jax.experimental.pallas import tpu_sc as plsc

_E = 8
_TOP_K = 2
_H = 768
_T_BLK = 4096
_NC = 2
_NS = 16
_NW = _NC * _NS
_G = 256

_INT_MIN = -2147483648



def _tc_logits_body(x_ref, wt_ref, b_ref, o_ref):
    o_ref[...] = (
        jnp.dot(x_ref[...], wt_ref[...], preferred_element_type=jnp.float32)
        + b_ref[...]
    )


def _tc_logits(h, wt, b2, n_tokens):
    grid = (n_tokens // _T_BLK,)
    return pl.pallas_call(
        _tc_logits_body,
        grid=grid,
        in_specs=[
            pl.BlockSpec((_T_BLK, _H), lambda i: (i, 0)),
            pl.BlockSpec((_H, _E), lambda i: (0, 0)),
            pl.BlockSpec((1, _E), lambda i: (0, 0)),
        ],
        out_specs=pl.BlockSpec((_T_BLK, _E), lambda i: (i, 0)),
        out_shape=jax.ShapeDtypeStruct((n_tokens, _E), jnp.float32),
        compiler_params=pltpu.CompilerParams(
            dimension_semantics=("parallel",)
        ),
    )(h, wt, b2)



def _lane_gather(v, idx):
    return v.at[idx].get(mode="promise_in_bounds")


def _halfmax(v, iota):
    for k in (4, 2, 1):
        v = jnp.maximum(v, _lane_gather(v, iota ^ k))
    return v


def _halfmin(v, iota):
    for k in (4, 2, 1):
        v = jnp.minimum(v, _lane_gather(v, iota ^ k))
    return v


def _pair_route(v, iota, hw, halfbase, imin):
    bits = lax.bitcast_convert_type(v, jnp.int32)
    key = jnp.where(bits >= 0, bits, _INT_MIN - bits)
    k0 = _halfmax(key, iota)
    i0 = _halfmin(jnp.where(key == k0, hw, 99), iota)
    key2 = jnp.where(hw == i0, imin, key)
    k1 = _halfmax(key2, iota)
    i1 = _halfmin(jnp.where(key2 == k1, hw, 99), iota)
    m0 = _lane_gather(v, i0 + halfbase)
    m1 = _lane_gather(v, i1 + halfbase)
    e1 = jnp.exp(m1 - m0)
    s = 1.0 + e1
    r = 1.0 / s
    r = r * (2.0 - s * r)
    p1 = e1 * r
    scores = jnp.where(hw == i0, r, jnp.where(hw == i1, p1, 0.0))
    return scores, i0, i1


def _sc_body(l_hbm, scores_hbm, idx_hbm, lbuf, sbuf, ibuf, *, s_w):
    wid = lax.axis_index("c") * _NS + lax.axis_index("s")
    my_row0 = wid * s_w
    ngroups = s_w // _G

    iota = lax.iota(jnp.int32, 16)
    hw = iota & 7
    halfbase = iota & 8
    imin = jnp.full((16,), _INT_MIN, jnp.int32)
    zero16 = jnp.zeros((16,), jnp.int32)
    eight16 = jnp.full((16,), 8, jnp.int32)

    def do_group(g, carry):
        row0 = my_row0 + g * _G
        pltpu.sync_copy(l_hbm.at[pl.ds(row0 * _E, _G * _E)], lbuf)

        def k_body(k, c):
            ivec = zero16
            for q in range(4):
                p = k * 4 + q
                v = lbuf[pl.ds(p * 16, 16)]
                scores, i0, i1 = _pair_route(v, iota, hw, halfbase, imin)
                sbuf[pl.ds(p * 16, 16)] = scores
                ivec = jnp.where(iota == 4 * q, _lane_gather(i0, zero16), ivec)
                ivec = jnp.where(
                    iota == 4 * q + 1, _lane_gather(i1, zero16), ivec
                )
                ivec = jnp.where(
                    iota == 4 * q + 2, _lane_gather(i0, eight16), ivec
                )
                ivec = jnp.where(
                    iota == 4 * q + 3, _lane_gather(i1, eight16), ivec
                )
            ibuf[pl.ds(k * 16, 16)] = ivec
            return c

        lax.fori_loop(0, _G // 8, k_body, 0)
        pltpu.sync_copy(sbuf, scores_hbm.at[pl.ds(row0 * _E, _G * _E)])
        pltpu.sync_copy(ibuf, idx_hbm.at[pl.ds(row0 * 2, _G * 2)])
        return carry

    lax.fori_loop(0, ngroups, do_group, 0)


def _sc_route(logits_flat, n_tokens):
    s_w = n_tokens // _NW
    mesh = plsc.VectorSubcoreMesh(
        core_axis_name="c", subcore_axis_name="s",
        num_cores=_NC, num_subcores=_NS,
    )
    body = functools.partial(_sc_body, s_w=s_w)
    return pl.kernel(
        body,
        out_type=[
            jax.ShapeDtypeStruct((n_tokens * _E,), jnp.float32),
            jax.ShapeDtypeStruct((n_tokens * 2,), jnp.int32),
        ],
        mesh=mesh,
        scratch_types=[
            pltpu.VMEM((_G * _E,), jnp.float32),
            pltpu.VMEM((_G * _E,), jnp.float32),
            pltpu.VMEM((_G * 2,), jnp.int32),
        ],
    )(logits_flat)


def kernel(hidden_states, weight, bias):
    h = hidden_states.reshape(-1, _H)
    tokens = h.shape[0]
    wt = weight.T
    b2 = bias.reshape(1, _E)

    logits = _tc_logits(h, wt, b2, tokens)
    scores_f, idx_f = _sc_route(logits.reshape(-1), tokens)
    return (
        scores_f.reshape(tokens, _E),
        idx_f.reshape(tokens, _TOP_K),
    )

# --- scband reference (transcript-rebuilt; emitter-appended) ---
"""Pipeline reference for scband-gpt-oss-router-1176821039988 (READ-ONLY COPY).

The authoritative reference and input builder live on the scoring server;
editing this copy changes nothing except your own understanding.
"""

import jax, jax.numpy as jnp
import numpy as np

NUM_EXPERTS = 8
TOP_K = 2
HIDDEN = 768
TOKENS = 32768


def setup_inputs(seed: int = 0) -> dict:
    key = jax.random.key(seed)
    k1, k2, k3 = jax.random.split(key, 3)
    hidden_states = jax.random.normal(k1, (TOKENS, HIDDEN), dtype=jnp.float32)
    weight = jax.random.normal(k2, (NUM_EXPERTS, HIDDEN), dtype=jnp.float32) * 0.02
    bias = jax.random.normal(k3, (NUM_EXPERTS,), dtype=jnp.float32) * 0.02
    return {"hidden_states": hidden_states, "weight": weight, "bias": bias}


def reference(hidden_states, weight, bias):
    # hidden_states.reshape(-1, hidden_size)
    h = hidden_states.reshape(-1, HIDDEN)
    # F.linear(h, weight, bias) -> h @ weight.T + bias
    router_logits = h @ weight.T + bias
    # topk (sorted=True is the default behavior of lax.top_k)
    router_top_value, router_indices = jax.lax.top_k(router_logits, TOP_K)
    # softmax over the selected top-k values
    router_top_value = jax.nn.softmax(router_top_value, axis=1)
    # scatter softmaxed values back into a dense [T, E] score matrix
    n = router_logits.shape[0]
    row_idx = jnp.arange(n)[:, None]
    router_scores = jnp.zeros_like(router_logits).at[row_idx, router_indices].set(router_top_value)
    return (router_scores, router_indices)

if __name__ == "__main__":
    import jax
    _d = setup_inputs()
    print(jax.jit(kernel)(*tuple(_d.values())))

</pallas_src>

<mosaic_0001>
#map = affine_map<(d0, d1) -> (0)>
module attributes {stable_mosaic.version = 14 : i64} {
  func.func @_sc_body(%arg0: i32, %arg1: i32, %arg2: memref<262144xf32, #tpu.memory_space<hbm>>, %arg3: memref<262144xf32, #tpu.memory_space<hbm>>, %arg4: memref<65536xi32, #tpu.memory_space<hbm>>, %arg5: memref<2048xf32, #tpu.memory_space<vmem>>, %arg6: memref<2048xf32, #tpu.memory_space<vmem>>, %arg7: memref<512xi32, #tpu.memory_space<vmem>>) attributes {dimension_semantics = [#tpu.dimension_semantics<core_parallel>, #tpu.dimension_semantics<subcore_parallel>], iteration_bounds = array<i64: 2, 16>, scalar_prefetch = 0 : i64, scratch_operands = 3 : i64, tpu.core_type = #tpu.core_type<sc_vector_subcore>, window_params = [{transform_indices = #map}, {transform_indices = #map}, {transform_indices = #map}]} {
    %mul3A = arith.constant 16 : i32
    %mul3A_0 = arith.muli %arg0, %mul3A : i32
    %add3A = arith.addi %mul3A_0, %arg1 : i32
    %mul3A_1 = arith.constant 1024 : i32
    %mul3A_2 = arith.muli %add3A, %mul3A_1 : i32
    %iota3A = tpu.iota {dimensions = array<i32: 0>} : vector<16xi32>
    %and3A = arith.constant 7 : i32
    %and3A_3 = vector.broadcast %and3A : i32 to vector<16xi32>
    %and3A_4 = arith.andi %iota3A, %and3A_3 : vector<16xi32>
    %and3A_5 = arith.constant 8 : i32
    %and3A_6 = vector.broadcast %and3A_5 : i32 to vector<16xi32>
    %and3A_7 = arith.andi %iota3A, %and3A_6 : vector<16xi32>
    %broadcast_in_dim3A = arith.constant -2147483648 : i32
    %broadcast_in_dim3A_8 = vector.broadcast %broadcast_in_dim3A : i32 to vector<16xi32>
    %broadcast_in_dim3A_9 = arith.constant 0 : i32
    %broadcast_in_dim3A_10 = vector.broadcast %broadcast_in_dim3A_9 : i32 to vector<16xi32>
    %broadcast_in_dim3A_11 = arith.constant 8 : i32
    %broadcast_in_dim3A_12 = vector.broadcast %broadcast_in_dim3A_11 : i32 to vector<16xi32>
    %scan3A = arith.constant 0 : i32
    %scan3A_13 = arith.constant 0 : i32
    %scan3A_14 = arith.constant 4 : i32
    %scan3A_15 = arith.addi %scan3A_13, %scan3A_14 : i32
    %scan3A_16 = arith.constant 1 : i32
    scf.for %scan3A_18 = %scan3A_13 to %scan3A_15 step %scan3A_16  : i32 {
      %mul3A_19 = arith.constant 256 : i32
      %mul3A_20 = arith.muli %scan3A_18, %mul3A_19 : i32
      %add3A_21 = arith.addi %mul3A_2, %mul3A_20 : i32
      %mul3A_22 = arith.constant 8 : i32
      %mul3A_23 = arith.muli %add3A_21, %mul3A_22 : i32
      "tpu.region"() ({
        %run_scoped3A = tpu.sem_alloc : memref<!tpu.dma_semaphore, #tpu.memory_space<semaphore_mem>>
        %dma_start3A = tpu.memref_slice %arg2[%mul3A_23] : memref<262144xf32, #tpu.memory_space<hbm>> -> memref<2048xf32, #tpu.memory_space<hbm>>
        %dma_start3A_34 = tpu.memref_slice %arg2[%mul3A_23] : memref<262144xf32, #tpu.memory_space<hbm>> -> memref<2048xf32, #tpu.memory_space<hbm>>
        tpu.enqueue_dma source(%dma_start3A_34 : memref<2048xf32, #tpu.memory_space<hbm>>) target(%arg5 : memref<2048xf32, #tpu.memory_space<vmem>>) target_semaphore(%run_scoped3A : memref<!tpu.dma_semaphore, #tpu.memory_space<semaphore_mem>>)
        %dma_wait3A = tpu.memref_slice %arg2[%mul3A_23] : memref<262144xf32, #tpu.memory_space<hbm>> -> memref<2048xf32, #tpu.memory_space<hbm>>
        %dma_wait3A_35 = tpu.memref_slice %arg2[%mul3A_23] : memref<262144xf32, #tpu.memory_space<hbm>> -> memref<2048xf32, #tpu.memory_space<hbm>>
        tpu.wait_dma2 semaphore(%run_scoped3A : memref<!tpu.dma_semaphore, #tpu.memory_space<semaphore_mem>>) src(%dma_wait3A_35 : memref<2048xf32, #tpu.memory_space<hbm>>) dst(%arg5 : memref<2048xf32, #tpu.memory_space<vmem>>)
        tpu.yield
      }) : () -> ()
      %scan3A_24 = arith.constant 0 : i32
      %scan3A_25 = arith.constant 0 : i32
      %scan3A_26 = arith.constant 32 : i32
      %scan3A_27 = arith.addi %scan3A_25, %scan3A_26 : i32
      %scan3A_28 = arith.constant 1 : i32
      scf.for %scan3A_34 = %scan3A_25 to %scan3A_27 step %scan3A_28  : i32 {
        %mul3A_35 = arith.constant 4 : i32
        %mul3A_36 = arith.muli %scan3A_34, %mul3A_35 : i32
        %add3A_37 = arith.constant 0 : i32
        %add3A_38 = arith.addi %mul3A_36, %add3A_37 : i32
        %mul3A_39 = arith.constant 16 : i32
        %mul3A_40 = arith.muli %add3A_38, %mul3A_39 : i32
        %get3A = arith.index_cast %mul3A_40 : i32 to index
        %get3A_41 = tpu.vector_load %arg5[%get3A] {strides = array<i32>} : memref<2048xf32, #tpu.memory_space<vmem>>, vector<16xf32>,
        %get3A_42 = vector.shape_cast %get3A_41 : vector<16xf32> to vector<16xf32>
        %bitcast_convert_type3A = tpu.bitcast %get3A_42 : vector<16xf32> -> vector<16xi32>
        %ge3A = arith.constant 0 : i32
        %ge3A_43 = vector.broadcast %ge3A : i32 to vector<16xi32>
        %ge3A_44 = arith.cmpi sge, %bitcast_convert_type3A, %ge3A_43 : vector<16xi32>
        %sub3A = arith.constant -2147483648 : i32
        %sub3A_45 = vector.broadcast %sub3A : i32 to vector<16xi32>
        %sub3A_46 = arith.subi %sub3A_45, %bitcast_convert_type3A : vector<16xi32>
        %select_n3A = arith.select %ge3A_44, %bitcast_convert_type3A, %sub3A_46 : vector<16xi1>, vector<16xi32>
        %xor3A = arith.constant 4 : i32
        %xor3A_47 = vector.broadcast %xor3A : i32 to vector<16xi32>
        %xor3A_48 = arith.xori %iota3A, %xor3A_47 : vector<16xi32>
        %lt3A = arith.constant 0 : i32
        %lt3A_49 = vector.broadcast %lt3A : i32 to vector<16xi32>
        %lt3A_50 = arith.cmpi slt, %xor3A_48, %lt3A_49 : vector<16xi32>
        %add3A_51 = arith.constant 16 : i32
        %add3A_52 = vector.broadcast %add3A_51 : i32 to vector<16xi32>
        %add3A_53 = arith.addi %xor3A_48, %add3A_52 : vector<16xi32>
        %select_n3A_54 = arith.select %lt3A_50, %add3A_53, %xor3A_48 : vector<16xi1>, vector<16xi32>
        %broadcast_in_dim3A_55 = vector.shape_cast %select_n3A_54 : vector<16xi32> to vector<16x1xi32>
        %gather3A = vector.shape_cast %broadcast_in_dim3A_55 : vector<16x1xi32> to vector<16xi32>
        %gather3A_56 = tpu.dynamic_gather %select_n3A[%gather3A] in [0] : vector<16xi32>, vector<16xi32> -> vector<16xi32>
        %max3A = arith.maxsi %select_n3A, %gather3A_56 : vector<16xi32>
        %xor3A_57 = arith.constant 2 : i32
        %xor3A_58 = vector.broadcast %xor3A_57 : i32 to vector<16xi32>
        %xor3A_59 = arith.xori %iota3A, %xor3A_58 : vector<16xi32>
        %lt3A_60 = arith.constant 0 : i32
        %lt3A_61 = vector.broadcast %lt3A_60 : i32 to vector<16xi32>
        %lt3A_62 = arith.cmpi slt, %xor3A_59, %lt3A_61 : vector<16xi32>
        %add3A_63 = arith.constant 16 : i32
        %add3A_64 = vector.broadcast %add3A_63 : i32 to vector<16xi32>
        %add3A_65 = arith.addi %xor3A_59, %add3A_64 : vector<16xi32>
        %select_n3A_66 = arith.select %lt3A_62, %add3A_65, %xor3A_59 : vector<16xi1>, vector<16xi32>
        %broadcast_in_dim3A_67 = vector.shape_cast %select_n3A_66 : vector<16xi32> to vector<16x1xi32>
        %gather3A_68 = vector.shape_cast %broadcast_in_dim3A_67 : vector<16x1xi32> to vector<16xi32>
        %gather3A_69 = tpu.dynamic_gather %max3A[%gather3A_68] in [0] : vector<16xi32>, vector<16xi32> -> vector<16xi32>
        %max3A_70 = arith.maxsi %max3A, %gather3A_69 : vector<16xi32>
        %xor3A_71 = arith.constant 1 : i32
        %xor3A_72 = vector.broadcast %xor3A_71 : i32 to vector<16xi32>
        %xor3A_73 = arith.xori %iota3A, %xor3A_72 : vector<16xi32>
        %lt3A_74 = arith.constant 0 : i32
        %lt3A_75 = vector.broadcast %lt3A_74 : i32 to vector<16xi32>
        %lt3A_76 = arith.cmpi slt, %xor3A_73, %lt3A_75 : vector<16xi32>
        %add3A_77 = arith.constant 16 : i32
        %add3A_78 = vector.broadcast %add3A_77 : i32 to vector<16xi32>
        %add3A_79 = arith.addi %xor3A_73, %add3A_78 : vector<16xi32>
        %select_n3A_80 = arith.select %lt3A_76, %add3A_79, %xor3A_73 : vector<16xi1>, vector<16xi32>
        %broadcast_in_dim3A_81 = vector.shape_cast %select_n3A_80 : vector<16xi32> to vector<16x1xi32>
        %gather3A_82 = vector.shape_cast %broadcast_in_dim3A_81 : vector<16x1xi32> to vector<16xi32>
        %gather3A_83 = tpu.dynamic_gather %max3A_70[%gather3A_82] in [0] : vector<16xi32>, vector<16xi32> -> vector<16xi32>
        %max3A_84 = arith.maxsi %max3A_70, %gather3A_83 : vector<16xi32>
        %eq3A = arith.cmpi eq, %select_n3A, %max3A_84 : vector<16xi32>
        %jit3A = arith.constant 99 : i32
        %broadcast_in_dim3A_85 = vector.broadcast %jit3A : i32 to vector<16xi32>
        %select_n3A_86 = arith.select %eq3A, %and3A_4, %broadcast_in_dim3A_85 : vector<16xi1>, vector<16xi32>
        %xor3A_87 = arith.constant 4 : i32
        %xor3A_88 = vector.broadcast %xor3A_87 : i32 to vector<16xi32>
        %xor3A_89 = arith.xori %iota3A, %xor3A_88 : vector<16xi32>
        %lt3A_90 = arith.constant 0 : i32
        %lt3A_91 = vector.broadcast %lt3A_90 : i32 to vector<16xi32>
        %lt3A_92 = arith.cmpi slt, %xor3A_89, %lt3A_91 : vector<16xi32>
        %add3A_93 = arith.constant 16 : i32
        %add3A_94 = vector.broadcast %add3A_93 : i32 to vector<16xi32>
        %add3A_95 = arith.addi %xor3A_89, %add3A_94 : vector<16xi32>
        %select_n3A_96 = arith.select %lt3A_92, %add3A_95, %xor3A_89 : vector<16xi1>, vector<16xi32>
        %broadcast_in_dim3A_97 = vector.shape_cast %select_n3A_96 : vector<16xi32> to vector<16x1xi32>
        %gather3A_98 = vector.shape_cast %broadcast_in_dim3A_97 : vector<16x1xi32> to vector<16xi32>
        %gather3A_99 = tpu.dynamic_gather %select_n3A_86[%gather3A_98] in [0] : vector<16xi32>, vector<16xi32> -> vector<16xi32>
        %min3A = arith.minsi %select_n3A_86, %gather3A_99 : vector<16xi32>
        %xor3A_100 = arith.constant 2 : i32
        %xor3A_101 = vector.broadcast %xor3A_100 : i32 to vector<16xi32>
        %xor3A_102 = arith.xori %iota3A, %xor3A_101 : vector<16xi32>
        %lt3A_103 = arith.constant 0 : i32
        %lt3A_104 = vector.broadcast %lt3A_103 : i32 to vector<16xi32>
        %lt3A_105 = arith.cmpi slt, %xor3A_102, %lt3A_104 : vector<16xi32>
        %add3A_106 = arith.constant 16 : i32
        %add3A_107 = vector.broadcast %add3A_106 : i32 to vector<16xi32>
        %add3A_108 = arith.addi %xor3A_102, %add3A_107 : vector<16xi32>
        %select_n3A_109 = arith.select %lt3A_105, %add3A_108, %xor3A_102 : vector<16xi1>, vector<16xi32>
        %broadcast_in_dim3A_110 = vector.shape_cast %select_n3A_109 : vector<16xi32> to vector<16x1xi32>
        %gather3A_111 = vector.shape_cast %broadcast_in_dim3A_110 : vector<16x1xi32> to vector<16xi32>
        %gather3A_112 = tpu.dynamic_gather %min3A[%gather3A_111] in [0] : vector<16xi32>, vector<16xi32> -> vector<16xi32>
        %min3A_113 = arith.minsi %min3A, %gather3A_112 : vector<16xi32>
        %xor3A_114 = arith.constant 1 : i32
        %xor3A_115 = vector.broadcast %xor3A_114 : i32 to vector<16xi32>
        %xor3A_116 = arith.xori %iota3A, %xor3A_115 : vector<16xi32>
        %lt3A_117 = arith.constant 0 : i32
        %lt3A_118 = vector.broadcast %lt3A_117 : i32 to vector<16xi32>
        %lt3A_119 = arith.cmpi slt, %xor3A_116, %lt3A_118 : vector<16xi32>
        %add3A_120 = arith.constant 16 : i32
        %add3A_121 = vector.broadcast %add3A_120 : i32 to vector<16xi32>
        %add3A_122 = arith.addi %xor3A_116, %add3A_121 : vector<16xi32>
        %select_n3A_123 = arith.select %lt3A_119, %add3A_122, %xor3A_116 : vector<16xi1>, vector<16xi32>
        %broadcast_in_dim3A_124 = vector.shape_cast %select_n3A_123 : vector<16xi32> to vector<16x1xi32>
        %gather3A_125 = vector.shape_cast %broadcast_in_dim3A_124 : vector<16x1xi32> to vector<16xi32>
        %gather3A_126 = tpu.dynamic_gather %min3A_113[%gather3A_125] in [0] : vector<16xi32>, vector<16xi32> -> vector<16xi32>
        %min3A_127 = arith.minsi %min3A_113, %gather3A_126 : vector<16xi32>
        %eq3A_128 = arith.cmpi eq, %and3A_4, %min3A_127 : vector<16xi32>
        %select_n3A_129 = arith.select %eq3A_128, %broadcast_in_dim3A_8, %select_n3A : vector<16xi1>, vector<16xi32>
        %xor3A_130 = arith.constant 4 : i32
        %xor3A_131 = vector.broadcast %xor3A_130 : i32 to vector<16xi32>
        %xor3A_132 = arith.xori %iota3A, %xor3A_131 : vector<16xi32>
        %lt3A_133 = arith.constant 0 : i32
        %lt3A_134 = vector.broadcast %lt3A_133 : i32 to vector<16xi32>
        %lt3A_135 = arith.cmpi slt, %xor3A_132, %lt3A_134 : vector<16xi32>
        %add3A_136 = arith.constant 16 : i32
        %add3A_137 = vector.broadcast %add3A_136 : i32 to vector<16xi32>
        %add3A_138 = arith.addi %xor3A_132, %add3A_137 : vector<16xi32>
        %select_n3A_139 = arith.select %lt3A_135, %add3A_138, %xor3A_132 : vector<16xi1>, vector<16xi32>
        %broadcast_in_dim3A_140 = vector.shape_cast %select_n3A_139 : vector<16xi32> to vector<16x1xi32>
        %gather3A_141 = vector.shape_cast %broadcast_in_dim3A_140 : vector<16x1xi32> to vector<16xi32>
        %gather3A_142 = tpu.dynamic_gather %select_n3A_129[%gather3A_141] in [0] : vector<16xi32>, vector<16xi32> -> vector<16xi32>
        %max3A_143 = arith.maxsi %select_n3A_129, %gather3A_142 : vector<16xi32>
        %xor3A_144 = arith.constant 2 : i32
        %xor3A_145 = vector.broadcast %xor3A_144 : i32 to vector<16xi32>
        %xor3A_146 = arith.xori %iota3A, %xor3A_145 : vector<16xi32>
        %lt3A_147 = arith.constant 0 : i32
        %lt3A_148 = vector.broadcast %lt3A_147 : i32 to vector<16xi32>
        %lt3A_149 = arith.cmpi slt, %xor3A_146, %lt3A_148 : vector<16xi32>
        %add3A_150 = arith.constant 16 : i32
        %add3A_151 = vector.broadcast %add3A_150 : i32 to vector<16xi32>
        %add3A_152 = arith.addi %xor3A_146, %add3A_151 : vector<16xi32>
        %select_n3A_153 = arith.select %lt3A_149, %add3A_152, %xor3A_146 : vector<16xi1>, vector<16xi32>
        %broadcast_in_dim3A_154 = vector.shape_cast %select_n3A_153 : vector<16xi32> to vector<16x1xi32>
        %gather3A_155 = vector.shape_cast %broadcast_in_dim3A_154 : vector<16x1xi32> to vector<16xi32>
        %gather3A_156 = tpu.dynamic_gather %max3A_143[%gather3A_155] in [0] : vector<16xi32>, vector<16xi32> -> vector<16xi32>
        %max3A_157 = arith.maxsi %max3A_143, %gather3A_156 : vector<16xi32>
        %xor3A_158 = arith.constant 1 : i32
        %xor3A_159 = vector.broadcast %xor3A_158 : i32 to vector<16xi32>
        %xor3A_160 = arith.xori %iota3A, %xor3A_159 : vector<16xi32>
        %lt3A_161 = arith.constant 0 : i32
        %lt3A_162 = vector.broadcast %lt3A_161 : i32 to vector<16xi32>
        %lt3A_163 = arith.cmpi slt, %xor3A_160, %lt3A_162 : vector<16xi32>
        %add3A_164 = arith.constant 16 : i32
        %add3A_165 = vector.broadcast %add3A_164 : i32 to vector<16xi32>
        %add3A_166 = arith.addi %xor3A_160, %add3A_165 : vector<16xi32>
        %select_n3A_167 = arith.select %lt3A_163, %add3A_166, %xor3A_160 : vector<16xi1>, vector<16xi32>
        %broadcast_in_dim3A_168 = vector.shape_cast %select_n3A_167 : vector<16xi32> to vector<16x1xi32>
        %gather3A_169 = vector.shape_cast %broadcast_in_dim3A_168 : vector<16x1xi32> to vector<16xi32>
        %gather3A_170 = tpu.dynamic_gather %max3A_157[%gather3A_169] in [0] : vector<16xi32>, vector<16xi32> -> vector<16xi32>
        %max3A_171 = arith.maxsi %max3A_157, %gather3A_170 : vector<16xi32>
        %eq3A_172 = arith.cmpi eq, %select_n3A_129, %max3A_171 : vector<16xi32>
        %jit3A_173 = arith.constant 99 : i32
        %broadcast_in_dim3A_174 = vector.broadcast %jit3A_173 : i32 to vector<16xi32>
        %select_n3A_175 = arith.select %eq3A_172, %and3A_4, %broadcast_in_dim3A_174 : vector<16xi1>, vector<16xi32>
        %xor3A_176 = arith.constant 4 : i32
        %xor3A_177 = vector.broadcast %xor3A_176 : i32 to vector<16xi32>
        %xor3A_178 = arith.xori %iota3A, %xor3A_177 : vector<16xi32>
        %lt3A_179 = arith.constant 0 : i32
        %lt3A_180 = vector.broadcast %lt3A_179 : i32 to vector<16xi32>
        %lt3A_181 = arith.cmpi slt, %xor3A_178, %lt3A_180 : vector<16xi32>
        %add3A_182 = arith.constant 16 : i32
        %add3A_183 = vector.broadcast %add3A_182 : i32 to vector<16xi32>
        %add3A_184 = arith.addi %xor3A_178, %add3A_183 : vector<16xi32>
        %select_n3A_185 = arith.select %lt3A_181, %add3A_184, %xor3A_178 : vector<16xi1>, vector<16xi32>
        %broadcast_in_dim3A_186 = vector.shape_cast %select_n3A_185 : vector<16xi32> to vector<16x1xi32>
        %gather3A_187 = vector.shape_cast %broadcast_in_dim3A_186 : vector<16x1xi32> to vector<16xi32>
        %gather3A_188 = tpu.dynamic_gather %select_n3A_175[%gather3A_187] in [0] : vector<16xi32>, vector<16xi32> -> vector<16xi32>
        %min3A_189 = arith.minsi %select_n3A_175, %gather3A_188 : vector<16xi32>
        %xor3A_190 = arith.constant 2 : i32
        %xor3A_191 = vector.broadcast %xor3A_190 : i32 to vector<16xi32>
        %xor3A_192 = arith.xori %iota3A, %xor3A_191 : vector<16xi32>
        %lt3A_193 = arith.constant 0 : i32
        %lt3A_194 = vector.broadcast %lt3A_193 : i32 to vector<16xi32>
        %lt3A_195 = arith.cmpi slt, %xor3A_192, %lt3A_194 : vector<16xi32>
        %add3A_196 = arith.constant 16 : i32
        %add3A_197 = vector.broadcast %add3A_196 : i32 to vector<16xi32>
        %add3A_198 = arith.addi %xor3A_192, %add3A_197 : vector<16xi32>
        %select_n3A_199 = arith.select %lt3A_195, %add3A_198, %xor3A_192 : vector<16xi1>, vector<16xi32>
        %broadcast_in_dim3A_200 = vector.shape_cast %select_n3A_199 : vector<16xi32> to vector<16x1xi32>
        %gather3A_201 = vector.shape_cast %broadcast_in_dim3A_200 : vector<16x1xi32> to vector<16xi32>
        %gather3A_202 = tpu.dynamic_gather %min3A_189[%gather3A_201] in [0] : vector<16xi32>, vector<16xi32> -> vector<16xi32>
        %min3A_203 = arith.minsi %min3A_189, %gather3A_202 : vector<16xi32>
        %xor3A_204 = arith.constant 1 : i32
        %xor3A_205 = vector.broadcast %xor3A_204 : i32 to vector<16xi32>
        %xor3A_206 = arith.xori %iota3A, %xor3A_205 : vector<16xi32>
        %lt3A_207 = arith.constant 0 : i32
        %lt3A_208 = vector.broadcast %lt3A_207 : i32 to vector<16xi32>
        %lt3A_209 = arith.cmpi slt, %xor3A_206, %lt3A_208 : vector<16xi32>
        %add3A_210 = arith.constant 16 : i32
        %add3A_211 = vector.broadcast %add3A_210 : i32 to vector<16xi32>
        %add3A_212 = arith.addi %xor3A_206, %add3A_211 : vector<16xi32>
        %select_n3A_213 = arith.select %lt3A_209, %add3A_212, %xor3A_206 : vector<16xi1>, vector<16xi32>
        %broadcast_in_dim3A_214 = vector.shape_cast %select_n3A_213 : vector<16xi32> to vector<16x1xi32>
        %gather3A_215 = vector.shape_cast %broadcast_in_dim3A_214 : vector<16x1xi32> to vector<16xi32>
        %gather3A_216 = tpu.dynamic_gather %min3A_203[%gather3A_215] in [0] : vector<16xi32>, vector<16xi32> -> vector<16xi32>
        %min3A_217 = arith.minsi %min3A_203, %gather3A_216 : vector<16xi32>
        %add3A_218 = arith.addi %min3A_127, %and3A_7 : vector<16xi32>
        %lt3A_219 = arith.constant 0 : i32
        %lt3A_220 = vector.broadcast %lt3A_219 : i32 to vector<16xi32>
        %lt3A_221 = arith.cmpi slt, %add3A_218, %lt3A_220 : vector<16xi32>
        %add3A_222 = arith.constant 16 : i32
        %add3A_223 = vector.broadcast %add3A_222 : i32 to vector<16xi32>
        %add3A_224 = arith.addi %add3A_218, %add3A_223 : vector<16xi32>
        %select_n3A_225 = arith.select %lt3A_221, %add3A_224, %add3A_218 : vector<16xi1>, vector<16xi32>
        %broadcast_in_dim3A_226 = vector.shape_cast %select_n3A_225 : vector<16xi32> to vector<16x1xi32>
        %gather3A_227 = vector.shape_cast %broadcast_in_dim3A_226 : vector<16x1xi32> to vector<16xi32>
        %gather3A_228 = tpu.dynamic_gather %get3A_42[%gather3A_227] in [0] : vector<16xf32>, vector<16xi32> -> vector<16xf32>
        %add3A_229 = arith.addi %min3A_217, %and3A_7 : vector<16xi32>
        %lt3A_230 = arith.constant 0 : i32
        %lt3A_231 = vector.broadcast %lt3A_230 : i32 to vector<16xi32>
        %lt3A_232 = arith.cmpi slt, %add3A_229, %lt3A_231 : vector<16xi32>
        %add3A_233 = arith.constant 16 : i32
        %add3A_234 = vector.broadcast %add3A_233 : i32 to vector<16xi32>
        %add3A_235 = arith.addi %add3A_229, %add3A_234 : vector<16xi32>
        %select_n3A_236 = arith.select %lt3A_232, %add3A_235, %add3A_229 : vector<16xi1>, vector<16xi32>
        %broadcast_in_dim3A_237 = vector.shape_cast %select_n3A_236 : vector<16xi32> to vector<16x1xi32>
        %gather3A_238 = vector.shape_cast %broadcast_in_dim3A_237 : vector<16x1xi32> to vector<16xi32>
        %gather3A_239 = tpu.dynamic_gather %get3A_42[%gather3A_238] in [0] : vector<16xf32>, vector<16xi32> -> vector<16xf32>
        %sub3A_240 = arith.subf %gather3A_239, %gather3A_228 : vector<16xf32>
        %exp3A = math.exp %sub3A_240 : vector<16xf32>
        %add3A_241 = arith.constant 1.000000e+00 : f32
        %add3A_242 = vector.broadcast %add3A_241 : f32 to vector<16xf32>
        %add3A_243 = arith.addf %add3A_242, %exp3A : vector<16xf32>
        %div3A = arith.constant 1.000000e+00 : f32
        %div3A_244 = vector.broadcast %div3A : f32 to vector<16xf32>
        %div3A_245 = arith.divf %div3A_244, %add3A_243 : vector<16xf32>
        %mul3A_246 = arith.mulf %add3A_243, %div3A_245 : vector<16xf32>
        %sub3A_247 = arith.constant 2.000000e+00 : f32
        %sub3A_248 = vector.broadcast %sub3A_247 : f32 to vector<16xf32>
        %sub3A_249 = arith.subf %sub3A_248, %mul3A_246 : vector<16xf32>
        %mul3A_250 = arith.mulf %div3A_245, %sub3A_249 : vector<16xf32>
        %mul3A_251 = arith.mulf %exp3A, %mul3A_250 : vector<16xf32>
        %eq3A_252 = arith.cmpi eq, %and3A_4, %min3A_127 : vector<16xi32>
        %eq3A_253 = arith.cmpi eq, %and3A_4, %min3A_217 : vector<16xi32>
        %jit3A_254 = arith.constant 0.000000e+00 : f32
        %broadcast_in_dim3A_255 = vector.broadcast %jit3A_254 : f32 to vector<16xf32>
        %select_n3A_256 = arith.select %eq3A_253, %mul3A_251, %broadcast_in_dim3A_255 : vector<16xi1>, vector<16xf32>
        %select_n3A_257 = arith.select %eq3A_252, %mul3A_250, %select_n3A_256 : vector<16xi1>, vector<16xf32>
        %mul3A_258 = arith.constant 16 : i32
        %mul3A_259 = arith.muli %add3A_38, %mul3A_258 : i32
        %swap3A = arith.index_cast %mul3A_259 : i32 to index
        %swap3A_260 = tpu.vector_load %arg6[%swap3A] {strides = array<i32>} : memref<2048xf32, #tpu.memory_space<vmem>>, vector<16xf32>,
        %swap3A_261 = vector.shape_cast %swap3A_260 : vector<16xf32> to vector<16xf32>
        %swap3A_262 = vector.shape_cast %select_n3A_257 : vector<16xf32> to vector<16xf32>
        tpu.vector_store %arg6[%swap3A], %swap3A_262 {strides = array<i32>} : memref<2048xf32, #tpu.memory_space<vmem>>, vector<16xf32>,
        %eq3A_263 = arith.constant 0 : i32
        %eq3A_264 = vector.broadcast %eq3A_263 : i32 to vector<16xi32>
        %eq3A_265 = arith.cmpi eq, %iota3A, %eq3A_264 : vector<16xi32>
        %lt3A_266 = arith.constant 0 : i32
        %lt3A_267 = vector.broadcast %lt3A_266 : i32 to vector<16xi32>
        %lt3A_268 = arith.cmpi slt, %broadcast_in_dim3A_10, %lt3A_267 : vector<16xi32>
        %add3A_269 = arith.constant 16 : i32
        %add3A_270 = vector.broadcast %add3A_269 : i32 to vector<16xi32>
        %add3A_271 = arith.addi %broadcast_in_dim3A_10, %add3A_270 : vector<16xi32>
        %select_n3A_272 = arith.select %lt3A_268, %add3A_271, %broadcast_in_dim3A_10 : vector<16xi1>, vector<16xi32>
        %broadcast_in_dim3A_273 = vector.shape_cast %select_n3A_272 : vector<16xi32> to vector<16x1xi32>
        %gather3A_274 = vector.shape_cast %broadcast_in_dim3A_273 : vector<16x1xi32> to vector<16xi32>
        %gather3A_275 = tpu.dynamic_gather %min3A_127[%gather3A_274] in [0] : vector<16xi32>, vector<16xi32> -> vector<16xi32>
        %select_n3A_276 = arith.select %eq3A_265, %gather3A_275, %broadcast_in_dim3A_10 : vector<16xi1>, vector<16xi32>
        %eq3A_277 = arith.constant 1 : i32
        %eq3A_278 = vector.broadcast %eq3A_277 : i32 to vector<16xi32>
        %eq3A_279 = arith.cmpi eq, %iota3A, %eq3A_278 : vector<16xi32>
        %lt3A_280 = arith.constant 0 : i32
        %lt3A_281 = vector.broadcast %lt3A_280 : i32 to vector<16xi32>
        %lt3A_282 = arith.cmpi slt, %broadcast_in_dim3A_10, %lt3A_281 : vector<16xi32>
        %add3A_283 = arith.constant 16 : i32
        %add3A_284 = vector.broadcast %add3A_283 : i32 to vector<16xi32>
        %add3A_285 = arith.addi %broadcast_in_dim3A_10, %add3A_284 : vector<16xi32>
        %select_n3A_286 = arith.select %lt3A_282, %add3A_285, %broadcast_in_dim3A_10 : vector<16xi1>, vector<16xi32>
        %broadcast_in_dim3A_287 = vector.shape_cast %select_n3A_286 : vector<16xi32> to vector<16x1xi32>
        %gather3A_288 = vector.shape_cast %broadcast_in_dim3A_287 : vector<16x1xi32> to vector<16xi32>
        %gather3A_289 = tpu.dynamic_gather %min3A_217[%gather3A_288] in [0] : vector<16xi32>, vector<16xi32> -> vector<16xi32>
        %select_n3A_290 = arith.select %eq3A_279, %gather3A_289, %select_n3A_276 : vector<16xi1>, vector<16xi32>
        %eq3A_291 = arith.constant 2 : i32
        %eq3A_292 = vector.broadcast %eq3A_291 : i32 to vector<16xi32>
        %eq3A_293 = arith.cmpi eq, %iota3A, %eq3A_292 : vector<16xi32>
        %lt3A_294 = arith.constant 0 : i32
        %lt3A_295 = vector.broadcast %lt3A_294 : i32 to vector<16xi32>
        %lt3A_296 = arith.cmpi slt, %broadcast_in_dim3A_12, %lt3A_295 : vector<16xi32>
        %add3A_297 = arith.constant 16 : i32
        %add3A_298 = vector.broadcast %add3A_297 : i32 to vector<16xi32>
        %add3A_299 = arith.addi %broadcast_in_dim3A_12, %add3A_298 : vector<16xi32>
        %select_n3A_300 = arith.select %lt3A_296, %add3A_299, %broadcast_in_dim3A_12 : vector<16xi1>, vector<16xi32>
        %broadcast_in_dim3A_301 = vector.shape_cast %select_n3A_300 : vector<16xi32> to vector<16x1xi32>
        %gather3A_302 = vector.shape_cast %broadcast_in_dim3A_301 : vector<16x1xi32> to vector<16xi32>
        %gather3A_303 = tpu.dynamic_gather %min3A_127[%gather3A_302] in [0] : vector<16xi32>, vector<16xi32> -> vector<16xi32>
        %select_n3A_304 = arith.select %eq3A_293, %gather3A_303, %select_n3A_290 : vector<16xi1>, vector<16xi32>
        %eq3A_305 = arith.constant 3 : i32
        %eq3A_306 = vector.broadcast %eq3A_305 : i32 to vector<16xi32>
        %eq3A_307 = arith.cmpi eq, %iota3A, %eq3A_306 : vector<16xi32>
        %lt3A_308 = arith.constant 0 : i32
        %lt3A_309 = vector.broadcast %lt3A_308 : i32 to vector<16xi32>
        %lt3A_310 = arith.cmpi slt, %broadcast_in_dim3A_12, %lt3A_309 : vector<16xi32>
        %add3A_311 = arith.constant 16 : i32
        %add3A_312 = vector.broadcast %add3A_311 : i32 to vector<16xi32>
        %add3A_313 = arith.addi %broadcast_in_dim3A_12, %add3A_312 : vector<16xi32>
        %select_n3A_314 = arith.select %lt3A_310, %add3A_313, %broadcast_in_dim3A_12 : vector<16xi1>, vector<16xi32>
        %broadcast_in_dim3A_315 = vector.shape_cast %select_n3A_314 : vector<16xi32> to vector<16x1xi32>
        %gather3A_316 = vector.shape_cast %broadcast_in_dim3A_315 : vector<16x1xi32> to vector<16xi32>
        %gather3A_317 = tpu.dynamic_gather %min3A_217[%gather3A_316] in [0] : vector<16xi32>, vector<16xi32> -> vector<16xi32>
        %select_n3A_318 = arith.select %eq3A_307, %gather3A_317, %select_n3A_304 : vector<16xi1>, vector<16xi32>
        %mul3A_319 = arith.constant 4 : i32
        %mul3A_320 = arith.muli %scan3A_34, %mul3A_319 : i32
        %add3A_321 = arith.constant 1 : i32
        %add3A_322 = arith.addi %mul3A_320, %add3A_321 : i32
        %mul3A_323 = arith.constant 16 : i32
        %mul3A_324 = arith.muli %add3A_322, %mul3A_323 : i32
        %get3A_325 = arith.index_cast %mul3A_324 : i32 to index
        %get3A_326 = tpu.vector_load %arg5[%get3A_325] {strides = array<i32>} : memref<2048xf32, #tpu.memory_space<vmem>>, vector<16xf32>,
        %get3A_327 = vector.shape_cast %get3A_326 : vector<16xf32> to vector<16xf32>
        %bitcast_convert_type3A_328 = tpu.bitcast %get3A_327 : vector<16xf32> -> vector<16xi32>
        %ge3A_329 = arith.constant 0 : i32
        %ge3A_330 = vector.broadcast %ge3A_329 : i32 to vector<16xi32>
        %ge3A_331 = arith.cmpi sge, %bitcast_convert_type3A_328, %ge3A_330 : vector<16xi32>
        %sub3A_332 = arith.constant -2147483648 : i32
        %sub3A_333 = vector.broadcast %sub3A_332 : i32 to vector<16xi32>
        %sub3A_334 = arith.subi %sub3A_333, %bitcast_convert_type3A_328 : vector<16xi32>
        %select_n3A_335 = arith.select %ge3A_331, %bitcast_convert_type3A_328, %sub3A_334 : vector<16xi1>, vector<16xi32>
        %xor3A_336 = arith.constant 4 : i32
        %xor3A_337 = vector.broadcast %xor3A_336 : i32 to vector<16xi32>
        %xor3A_338 = arith.xori %iota3A, %xor3A_337 : vector<16xi32>
        %lt3A_339 = arith.constant 0 : i32
        %lt3A_340 = vector.broadcast %lt3A_339 : i32 to vector<16xi32>
        %lt3A_341 = arith.cmpi slt, %xor3A_338, %lt3A_340 : vector<16xi32>
        %add3A_342 = arith.constant 16 : i32
        %add3A_343 = vector.broadcast %add3A_342 : i32 to vector<16xi32>
        %add3A_344 = arith.addi %xor3A_338, %add3A_343 : vector<16xi32>
        %select_n3A_345 = arith.select %lt3A_341, %add3A_344, %xor3A_338 : vector<16xi1>, vector<16xi32>
        %broadcast_in_dim3A_346 = vector.shape_cast %select_n3A_345 : vector<16xi32> to vector<16x1xi32>
        %gather3A_347 = vector.shape_cast %broadcast_in_dim3A_346 : vector<16x1xi32> to vector<16xi32>
        %gather3A_348 = tpu.dynamic_gather %select_n3A_335[%gather3A_347] in [0] : vector<16xi32>, vector<16xi32> -> vector<16xi32>
        %max3A_349 = arith.maxsi %select_n3A_335, %gather3A_348 : vector<16xi32>
        %xor3A_350 = arith.constant 2 : i32
        %xor3A_351 = vector.broadcast %xor3A_350 : i32 to vector<16xi32>
        %xor3A_352 = arith.xori %iota3A, %xor3A_351 : vector<16xi32>
        %lt3A_353 = arith.constant 0 : i32
        %lt3A_354 = vector.broadcast %lt3A_353 : i32 to vector<16xi32>
        %lt3A_355 = arith.cmpi slt, %xor3A_352, %lt3A_354 : vector<16xi32>
        %add3A_356 = arith.constant 16 : i32
        %add3A_357 = vector.broadcast %add3A_356 : i32 to vector<16xi32>
        %add3A_358 = arith.addi %xor3A_352, %add3A_357 : vector<16xi32>
        %select_n3A_359 = arith.select %lt3A_355, %add3A_358, %xor3A_352 : vector<16xi1>, vector<16xi32>
        %broadcast_in_dim3A_360 = vector.shape_cast %select_n3A_359 : vector<16xi32> to vector<16x1xi32>
        %gather3A_361 = vector.shape_cast %broadcast_in_dim3A_360 : vector<16x1xi32> to vector<16xi32>
        %gather3A_362 = tpu.dynamic_gather %max3A_349[%gather3A_361] in [0] : vector<16xi32>, vector<16xi32> -> vector<16xi32>
        %max3A_363 = arith.maxsi %max3A_349, %gather3A_362 : vector<16xi32>
        %xor3A_364 = arith.constant 1 : i32
        %xor3A_365 = vector.broadcast %xor3A_364 : i32 to vector<16xi32>
        %xor3A_366 = arith.xori %iota3A, %xor3A_365 : vector<16xi32>
        %lt3A_367 = arith.constant 0 : i32
        %lt3A_368 = vector.broadcast %lt3A_367 : i32 to vector<16xi32>
        %lt3A_369 = arith.cmpi slt, %xor3A_366, %lt3A_368 : vector<16xi32>
        %add3A_370 = arith.constant 16 : i32
        %add3A_371 = vector.broadcast %add3A_370 : i32 to vector<16xi32>
        %add3A_372 = arith.addi %xor3A_366, %add3A_371 : vector<16xi32>
        %select_n3A_373 = arith.select %lt3A_369, %add3A_372, %xor3A_366 : vector<16xi1>, vector<16xi32>
        %broadcast_in_dim3A_374 = vector.shape_cast %select_n3A_373 : vector<16xi32> to vector<16x1xi32>
        %gather3A_375 = vector.shape_cast %broadcast_in_dim3A_374 : vector<16x1xi32> to vector<16xi32>
        %gather3A_376 = tpu.dynamic_gather %max3A_363[%gather3A_375] in [0] : vector<16xi32>, vector<16xi32> -> vector<16xi32>
        %max3A_377 = arith.maxsi %max3A_363, %gather3A_376 : vector<16xi32>
        %eq3A_378 = arith.cmpi eq, %select_n3A_335, %max3A_377 : vector<16xi32>
        %jit3A_379 = arith.constant 99 : i32
        %broadcast_in_dim3A_380 = vector.broadcast %jit3A_379 : i32 to vector<16xi32>
        %select_n3A_381 = arith.select %eq3A_378, %and3A_4, %broadcast_in_dim3A_380 : vector<16xi1>, vector<16xi32>
        %xor3A_382 = arith.constant 4 : i32
        %xor3A_383 = vector.broadcast %xor3A_382 : i32 to vector<16xi32>
        %xor3A_384 = arith.xori %iota3A, %xor3A_383 : vector<16xi32>
        %lt3A_385 = arith.constant 0 : i32
        %lt3A_386 = vector.broadcast %lt3A_385 : i32 to vector<16xi32>
        %lt3A_387 = arith.cmpi slt, %xor3A_384, %lt3A_386 : vector<16xi32>
        %add3A_388 = arith.constant 16 : i32
        %add3A_389 = vector.broadcast %add3A_388 : i32 to vector<16xi32>
        %add3A_390 = arith.addi %xor3A_384, %add3A_389 : vector<16xi32>
        %select_n3A_391 = arith.select %lt3A_387, %add3A_390, %xor3A_384 : vector<16xi1>, vector<16xi32>
        %broadcast_in_dim3A_392 = vector.shape_cast %select_n3A_391 : vector<16xi32> to vector<16x1xi32>
        %gather3A_393 = vector.shape_cast %broadcast_in_dim3A_392 : vector<16x1xi32> to vector<16xi32>
        %gather3A_394 = tpu.dynamic_gather %select_n3A_381[%gather3A_393] in [0] : vector<16xi32>, vector<16xi32> -> vector<16xi32>
        %min3A_395 = arith.minsi %select_n3A_381, %gather3A_394 : vector<16xi32>
        %xor3A_396 = arith.constant 2 : i32
        %xor3A_397 = vector.broadcast %xor3A_396 : i32 to vector<16xi32>
        %xor3A_398 = arith.xori %iota3A, %xor3A_397 : vector<16xi32>
        %lt3A_399 = arith.constant 0 : i32
        %lt3A_400 = vector.broadcast %lt3A_399 : i32 to vector<16xi32>
        %lt3A_401 = arith.cmpi slt, %xor3A_398, %lt3A_400 : vector<16xi32>
        %add3A_402 = arith.constant 16 : i32
        %add3A_403 = vector.broadcast %add3A_402 : i32 to vector<16xi32>
        %add3A_404 = arith.addi %xor3A_398, %add3A_403 : vector<16xi32>
        %select_n3A_405 = arith.select %lt3A_401, %add3A_404, %xor3A_398 : vector<16xi1>, vector<16xi32>
        %broadcast_in_dim3A_406 = vector.shape_cast %select_n3A_405 : vector<16xi32> to vector<16x1xi32>
        %gather3A_407 = vector.shape_cast %broadcast_in_dim3A_406 : vector<16x1xi32> to vector<16xi32>
        %gather3A_408 = tpu.dynamic_gather %min3A_395[%gather3A_407] in [0] : vector<16xi32>, vector<16xi32> -> vector<16xi32>
        %min3A_409 = arith.minsi %min3A_395, %gather3A_408 : vector<16xi32>
        %xor3A_410 = arith.constant 1 : i32
        %xor3A_411 = vector.broadcast %xor3A_410 : i32 to vector<16xi32>
        %xor3A_412 = arith.xori %iota3A, %xor3A_411 : vector<16xi32>
        %lt3A_413 = arith.constant 0 : i32
        %lt3A_414 = vector.broadcast %lt3A_413 : i32 to vector<16xi32>
        %lt3A_415 = arith.cmpi slt, %xor3A_412, %lt3A_414 : vector<16xi32>
        %add3A_416 = arith.constant 16 : i32
        %add3A_417 = vector.broadcast %add3A_416 : i32 to vector<16xi32>
        %add3A_418 = arith.addi %xor3A_412, %add3A_417 : vector<16xi32>
        %select_n3A_419 = arith.select %lt3A_415, %add3A_418, %xor3A_412 : vector<16xi1>, vector<16xi32>
        %broadcast_in_dim3A_420 = vector.shape_cast %select_n3A_419 : vector<16xi32> to vector<16x1xi32>
        %gather3A_421 = vector.shape_cast %broadcast_in_dim3A_420 : vector<16x1xi32> to vector<16xi32>
        %gather3A_422 = tpu.dynamic_gather %min3A_409[%gather3A_421] in [0] : vector<16xi32>, vector<16xi32> -> vector<16xi32>
        %min3A_423 = arith.minsi %min3A_409, %gather3A_422 : vector<16xi32>
        %eq3A_424 = arith.cmpi eq, %and3A_4, %min3A_423 : vector<16xi32>
        %select_n3A_425 = arith.select %eq3A_424, %broadcast_in_dim3A_8, %select_n3A_335 : vector<16xi1>, vector<16xi32>
        %xor3A_426 = arith.constant 4 : i32
        %xor3A_427 = vector.broadcast %xor3A_426 : i32 to vector<16xi32>
        %xor3A_428 = arith.xori %iota3A, %xor3A_427 : vector<16xi32>
        %lt3A_429 = arith.constant 0 : i32
        %lt3A_430 = vector.broadcast %lt3A_429 : i32 to vector<16xi32>
        %lt3A_431 = arith.cmpi slt, %xor3A_428, %lt3A_430 : vector<16xi32>
        %add3A_432 = arith.constant 16 : i32
        %add3A_433 = vector.broadcast %add3A_432 : i32 to vector<16xi32>
        %add3A_434 = arith.addi %xor3A_428, %add3A_433 : vector<16xi32>
        %select_n3A_435 = arith.select %lt3A_431, %add3A_434, %xor3A_428 : vector<16xi1>, vector<16xi32>
        %broadcast_in_dim3A_436 = vector.shape_cast %select_n3A_435 : vector<16xi32> to vector<16x1xi32>
        %gather3A_437 = vector.shape_cast %broadcast_in_dim3A_436 : vector<16x1xi32> to vector<16xi32>
        %gather3A_438 = tpu.dynamic_gather %select_n3A_425[%gather3A_437] in [0] : vector<16xi32>, vector<16xi32> -> vector<16xi32>
        %max3A_439 = arith.maxsi %select_n3A_425, %gather3A_438 : vector<16xi32>
        %xor3A_440 = arith.constant 2 : i32
        %xor3A_441 = vector.broadcast %xor3A_440 : i32 to vector<16xi32>
        %xor3A_442 = arith.xori %iota3A, %xor3A_441 : vector<16xi32>
        %lt3A_443 = arith.constant 0 : i32
        %lt3A_444 = vector.broadcast %lt3A_443 : i32 to vector<16xi32>
        %lt3A_445 = arith.cmpi slt, %xor3A_442, %lt3A_444 : vector<16xi32>
        %add3A_446 = arith.constant 16 : i32
        %add3A_447 = vector.broadcast %add3A_446 : i32 to vector<16xi32>
        %add3A_448 = arith.addi %xor3A_442, %add3A_447 : vector<16xi32>
        %select_n3A_449 = arith.select %lt3A_445, %add3A_448, %xor3A_442 : vector<16xi1>, vector<16xi32>
        %broadcast_in_dim3A_450 = vector.shape_cast %select_n3A_449 : vector<16xi32> to vector<16x1xi32>
        %gather3A_451 = vector.shape_cast %broadcast_in_dim3A_450 : vector<16x1xi32> to vector<16xi32>
        %gather3A_452 = tpu.dynamic_gather %max3A_439[%gather3A_451] in [0] : vector<16xi32>, vector<16xi32> -> vector<16xi32>
        %max3A_453 = arith.maxsi %max3A_439, %gather3A_452 : vector<16xi32>
        %xor3A_454 = arith.constant 1 : i32
        %xor3A_455 = vector.broadcast %xor3A_454 : i32 to vector<16xi32>
        %xor3A_456 = arith.xori %iota3A, %xor3A_455 : vector<16xi32>
        %lt3A_457 = arith.constant 0 : i32
        %lt3A_458 = vector.broadcast %lt3A_457 : i32 to vector<16xi32>
        %lt3A_459 = arith.cmpi slt, %xor3A_456, %lt3A_458 : vector<16xi32>
        %add3A_460 = arith.constant 16 : i32
        %add3A_461 = vector.broadcast %add3A_460 : i32 to vector<16xi32>
        %add3A_462 = arith.addi %xor3A_456, %add3A_461 : vector<16xi32>
        %select_n3A_463 = arith.select %lt3A_459, %add3A_462, %xor3A_456 : vector<16xi1>, vector<16xi32>
        %broadcast_in_dim3A_464 = vector.shape_cast %select_n3A_463 : vector<16xi32> to vector<16x1xi32>
        %gather3A_465 = vector.shape_cast %broadcast_in_dim3A_464 : vector<16x1xi32> to vector<16xi32>
        %gather3A_466 = tpu.dynamic_gather %max3A_453[%gather3A_465] in [0] : vector<16xi32>, vector<16xi32> -> vector<16xi32>
        %max3A_467 = arith.maxsi %max3A_453, %gather3A_466 : vector<16xi32>
        %eq3A_468 = arith.cmpi eq, %select_n3A_425, %max3A_467 : vector<16xi32>
        %jit3A_469 = arith.constant 99 : i32
        %broadcast_in_dim3A_470 = vector.broadcast %jit3A_469 : i32 to vector<16xi32>
        %select_n3A_471 = arith.select %eq3A_468, %and3A_4, %broadcast_in_dim3A_470 : vector<16xi1>, vector<16xi32>
        %xor3A_472 = arith.constant 4 : i32
        %xor3A_473 = vector.broadcast %xor3A_472 : i32 to vector<16xi32>
        %xor3A_474 = arith.xori %iota3A, %xor3A_473 : vector<16xi32>
        %lt3A_475 = arith.constant 0 : i32
        %lt3A_476 = vector.broadcast %lt3A_475 : i32 to vector<16xi32>
        %lt3A_477 = arith.cmpi slt, %xor3A_474, %lt3A_476 : vector<16xi32>
        %add3A_478 = arith.constant 16 : i32
        %add3A_479 = vector.broadcast %add3A_478 : i32 to vector<16xi32>
        %add3A_480 = arith.addi %xor3A_474, %add3A_479 : vector<16xi32>
        %select_n3A_481 = arith.select %lt3A_477, %add3A_480, %xor3A_474 : vector<16xi1>, vector<16xi32>
        %broadcast_in_dim3A_482 = vector.shape_cast %select_n3A_481 : vector<16xi32> to vector<16x1xi32>
        %gather3A_483 = vector.shape_cast %broadcast_in_dim3A_482 : vector<16x1xi32> to vector<16xi32>
        %gather3A_484 = tpu.dynamic_gather %select_n3A_471[%gather3A_483] in [0] : vector<16xi32>, vector<16xi32> -> vector<16xi32>
        %min3A_485 = arith.minsi %select_n3A_471, %gather3A_484 : vector<16xi32>
        %xor3A_486 = arith.constant 2 : i32
        %xor3A_487 = vector.broadcast %xor3A_486 : i32 to vector<16xi32>
        %xor3A_488 = arith.xori %iota3A, %xor3A_487 : vector<16xi32>
        %lt3A_489 = arith.constant 0 : i32
        %lt3A_490 = vector.broadcast %lt3A_489 : i32 to vector<16xi32>
        %lt3A_491 = arith.cmpi slt, %xor3A_488, %lt3A_490 : vector<16xi32>
        %add3A_492 = arith.constant 16 : i32
        %add3A_493 = vector.broadcast %add3A_492 : i32 to vector<16xi32>
        %add3A_494 = arith.addi %xor3A_488, %add3A_493 : vector<16xi32>
        %select_n3A_495 = arith.select %lt3A_491, %add3A_494, %xor3A_488 : vector<16xi1>, vector<16xi32>
        %broadcast_in_dim3A_496 = vector.shape_cast %select_n3A_495 : vector<16xi32> to vector<16x1xi32>
        %gather3A_497 = vector.shape_cast %broadcast_in_dim3A_496 : vector<16x1xi32> to vector<16xi32>
        %gather3A_498 = tpu.dynamic_gather %min3A_485[%gather3A_497] in [0] : vector<16xi32>, vector<16xi32> -> vector<16xi32>
        %min3A_499 = arith.minsi %min3A_485, %gather3A_498 : vector<16xi32>
        %xor3A_500 = arith.constant 1 : i32
        %xor3A_501 = vector.broadcast %xor3A_500 : i32 to vector<16xi32>
        %xor3A_502 = arith.xori %iota3A, %xor3A_501 : vector<16xi32>
        %lt3A_503 = arith.constant 0 : i32
        %lt3A_504 = vector.broadcast %lt3A_503 : i32 to vector<16xi32>
        %lt3A_505 = arith.cmpi slt, %xor3A_502, %lt3A_504 : vector<16xi32>
        %add3A_506 = arith.constant 16 : i32
        %add3A_507 = vector.broadcast %add3A_506 : i32 to vector<16xi32>
        %add3A_508 = arith.addi %xor3A_502, %add3A_507 : vector<16xi32>
        %select_n3A_509 = arith.select %lt3A_505, %add3A_508, %xor3A_502 : vector<16xi1>, vector<16xi32>
        %broadcast_in_dim3A_510 = vector.shape_cast %select_n3A_509 : vector<16xi32> to vector<16x1xi32>
        %gather3A_511 = vector.shape_cast %broadcast_in_dim3A_510 : vector<16x1xi32> to vector<16xi32>
        %gather3A_512 = tpu.dynamic_gather %min3A_499[%gather3A_511] in [0] : vector<16xi32>, vector<16xi32> -> vector<16xi32>
        %min3A_513 = arith.minsi %min3A_499, %gather3A_512 : vector<16xi32>
        %add3A_514 = arith.addi %min3A_423, %and3A_7 : vector<16xi32>
        %lt3A_515 = arith.constant 0 : i32
        %lt3A_516 = vector.broadcast %lt3A_515 : i32 to vector<16xi32>
        %lt3A_517 = arith.cmpi slt, %add3A_514, %lt3A_516 : vector<16xi32>
        %add3A_518 = arith.constant 16 : i32
        %add3A_519 = vector.broadcast %add3A_518 : i32 to vector<16xi32>
        %add3A_520 = arith.addi %add3A_514, %add3A_519 : vector<16xi32>
        %select_n3A_521 = arith.select %lt3A_517, %add3A_520, %add3A_514 : vector<16xi1>, vector<16xi32>
        %broadcast_in_dim3A_522 = vector.shape_cast %select_n3A_521 : vector<16xi32> to vector<16x1xi32>
        %gather3A_523 = vector.shape_cast %broadcast_in_dim3A_522 : vector<16x1xi32> to vector<16xi32>
        %gather3A_524 = tpu.dynamic_gather %get3A_327[%gather3A_523] in [0] : vector<16xf32>, vector<16xi32> -> vector<16xf32>
        %add3A_525 = arith.addi %min3A_513, %and3A_7 : vector<16xi32>
        %lt3A_526 = arith.constant 0 : i32
        %lt3A_527 = vector.broadcast %lt3A_526 : i32 to vector<16xi32>
        %lt3A_528 = arith.cmpi slt, %add3A_525, %lt3A_527 : vector<16xi32>
        %add3A_529 = arith.constant 16 : i32
        %add3A_530 = vector.broadcast %add3A_529 : i32 to vector<16xi32>
        %add3A_531 = arith.addi %add3A_525, %add3A_530 : vector<16xi32>
        %select_n3A_532 = arith.select %lt3A_528, %add3A_531, %add3A_525 : vector<16xi1>, vector<16xi32>
        %broadcast_in_dim3A_533 = vector.shape_cast %select_n3A_532 : vector<16xi32> to vector<16x1xi32>
        %gather3A_534 = vector.shape_cast %broadcast_in_dim3A_533 : vector<16x1xi32> to vector<16xi32>
        %gather3A_535 = tpu.dynamic_gather %get3A_327[%gather3A_534] in [0] : vector<16xf32>, vector<16xi32> -> vector<16xf32>
        %sub3A_536 = arith.subf %gather3A_535, %gather3A_524 : vector<16xf32>
        %exp3A_537 = math.exp %sub3A_536 : vector<16xf32>
        %add3A_538 = arith.constant 1.000000e+00 : f32
        %add3A_539 = vector.broadcast %add3A_538 : f32 to vector<16xf32>
        %add3A_540 = arith.addf %add3A_539, %exp3A_537 : vector<16xf32>
        %div3A_541 = arith.constant 1.000000e+00 : f32
        %div3A_542 = vector.broadcast %div3A_541 : f32 to vector<16xf32>
        %div3A_543 = arith.divf %div3A_542, %add3A_540 : vector<16xf32>
        %mul3A_544 = arith.mulf %add3A_540, %div3A_543 : vector<16xf32>
        %sub3A_545 = arith.constant 2.000000e+00 : f32
        %sub3A_546 = vector.broadcast %sub3A_545 : f32 to vector<16xf32>
        %sub3A_547 = arith.subf %sub3A_546, %mul3A_544 : vector<16xf32>
        %mul3A_548 = arith.mulf %div3A_543, %sub3A_547 : vector<16xf32>
        %mul3A_549 = arith.mulf %exp3A_537, %mul3A_548 : vector<16xf32>
        %eq3A_550 = arith.cmpi eq, %and3A_4, %min3A_423 : vector<16xi32>
        %eq3A_551 = arith.cmpi eq, %and3A_4, %min3A_513 : vector<16xi32>
        %jit3A_552 = arith.constant 0.000000e+00 : f32
        %broadcast_in_dim3A_553 = vector.broadcast %jit3A_552 : f32 to vector<16xf32>
        %select_n3A_554 = arith.select %eq3A_551, %mul3A_549, %broadcast_in_dim3A_553 : vector<16xi1>, vector<16xf32>
        %select_n3A_555 = arith.select %eq3A_550, %mul3A_548, %select_n3A_554 : vector<16xi1>, vector<16xf32>
        %mul3A_556 = arith.constant 16 : i32
        %mul3A_557 = arith.muli %add3A_322, %mul3A_556 : i32
        %swap3A_558 = arith.index_cast %mul3A_557 : i32 to index
        %swap3A_559 = tpu.vector_load %arg6[%swap3A_558] {strides = array<i32>} : memref<2048xf32, #tpu.memory_space<vmem>>, vector<16xf32>,
        %swap3A_560 = vector.shape_cast %swap3A_559 : vector<16xf32> to vector<16xf32>
        %swap3A_561 = vector.shape_cast %select_n3A_555 : vector<16xf32> to vector<16xf32>
        tpu.vector_store %arg6[%swap3A_558], %swap3A_561 {strides = array<i32>} : memref<2048xf32, #tpu.memory_space<vmem>>, vector<16xf32>,
        %eq3A_562 = arith.constant 4 : i32
        %eq3A_563 = vector.broadcast %eq3A_562 : i32 to vector<16xi32>
        %eq3A_564 = arith.cmpi eq, %iota3A, %eq3A_563 : vector<16xi32>
        %lt3A_565 = arith.constant 0 : i32
        %lt3A_566 = vector.broadcast %lt3A_565 : i32 to vector<16xi32>
        %lt3A_567 = arith.cmpi slt, %broadcast_in_dim3A_10, %lt3A_566 : vector<16xi32>
        %add3A_568 = arith.constant 16 : i32
        %add3A_569 = vector.broadcast %add3A_568 : i32 to vector<16xi32>
        %add3A_570 = arith.addi %broadcast_in_dim3A_10, %add3A_569 : vector<16xi32>
        %select_n3A_571 = arith.select %lt3A_567, %add3A_570, %broadcast_in_dim3A_10 : vector<16xi1>, vector<16xi32>
        %broadcast_in_dim3A_572 = vector.shape_cast %select_n3A_571 : vector<16xi32> to vector<16x1xi32>
        %gather3A_573 = vector.shape_cast %broadcast_in_dim3A_572 : vector<16x1xi32> to vector<16xi32>
        %gather3A_574 = tpu.dynamic_gather %min3A_423[%gather3A_573] in [0] : vector<16xi32>, vector<16xi32> -> vector<16xi32>
        %select_n3A_575 = arith.select %eq3A_564, %gather3A_574, %select_n3A_318 : vector<16xi1>, vector<16xi32>
        %eq3A_576 = arith.constant 5 : i32
        %eq3A_577 = vector.broadcast %eq3A_576 : i32 to vector<16xi32>
        %eq3A_578 = arith.cmpi eq, %iota3A, %eq3A_577 : vector<16xi32>
        %lt3A_579 = arith.constant 0 : i32
        %lt3A_580 = vector.broadcast %lt3A_579 : i32 to vector<16xi32>
        %lt3A_581 = arith.cmpi slt, %broadcast_in_dim3A_10, %lt3A_580 : vector<16xi32>
        %add3A_582 = arith.constant 16 : i32
        %add3A_583 = vector.broadcast %add3A_582 : i32 to vector<16xi32>
        %add3A_584 = arith.addi %broadcast_in_dim3A_10, %add3A_583 : vector<16xi32>
        %select_n3A_585 = arith.select %lt3A_581, %add3A_584, %broadcast_in_dim3A_10 : vector<16xi1>, vector<16xi32>
        %broadcast_in_dim3A_586 = vector.shape_cast %select_n3A_585 : vector<16xi32> to vector<16x1xi32>
        %gather3A_587 = vector.shape_cast %broadcast_in_dim3A_586 : vector<16x1xi32> to vector<16xi32>
        %gather3A_588 = tpu.dynamic_gather %min3A_513[%gather3A_587] in [0] : vector<16xi32>, vector<16xi32> -> vector<16xi32>
        %select_n3A_589 = arith.select %eq3A_578, %gather3A_588, %select_n3A_575 : vector<16xi1>, vector<16xi32>
        %eq3A_590 = arith.constant 6 : i32
        %eq3A_591 = vector.broadcast %eq3A_590 : i32 to vector<16xi32>
        %eq3A_592 = arith.cmpi eq, %iota3A, %eq3A_591 : vector<16xi32>
        %lt3A_593 = arith.constant 0 : i32
        %lt3A_594 = vector.broadcast %lt3A_593 : i32 to vector<16xi32>
        %lt3A_595 = arith.cmpi slt, %broadcast_in_dim3A_12, %lt3A_594 : vector<16xi32>
        %add3A_596 = arith.constant 16 : i32
        %add3A_597 = vector.broadcast %add3A_596 : i32 to vector<16xi32>
        %add3A_598 = arith.addi %broadcast_in_dim3A_12, %add3A_597 : vector<16xi32>
        %select_n3A_599 = arith.select %lt3A_595, %add3A_598, %broadcast_in_dim3A_12 : vector<16xi1>, vector<16xi32>
        %broadcast_in_dim3A_600 = vector.shape_cast %select_n3A_599 : vector<16xi32> to vector<16x1xi32>
        %gather3A_601 = vector.shape_cast %broadcast_in_dim3A_600 : vector<16x1xi32> to vector<16xi32>
        %gather3A_602 = tpu.dynamic_gather %min3A_423[%gather3A_601] in [0] : vector<16xi32>, vector<16xi32> -> vector<16xi32>
        %select_n3A_603 = arith.select %eq3A_592, %gather3A_602, %select_n3A_589 : vector<16xi1>, vector<16xi32>
        %eq3A_604 = arith.constant 7 : i32
        %eq3A_605 = vector.broadcast %eq3A_604 : i32 to vector<16xi32>
        %eq3A_606 = arith.cmpi eq, %iota3A, %eq3A_605 : vector<16xi32>
        %lt3A_607 = arith.constant 0 : i32
        %lt3A_608 = vector.broadcast %lt3A_607 : i32 to vector<16xi32>
        %lt3A_609 = arith.cmpi slt, %broadcast_in_dim3A_12, %lt3A_608 : vector<16xi32>
        %add3A_610 = arith.constant 16 : i32
        %add3A_611 = vector.broadcast %add3A_610 : i32 to vector<16xi32>
        %add3A_612 = arith.addi %broadcast_in_dim3A_12, %add3A_611 : vector<16xi32>
        %select_n3A_613 = arith.select %lt3A_609, %add3A_612, %broadcast_in_dim3A_12 : vector<16xi1>, vector<16xi32>
        %broadcast_in_dim3A_614 = vector.shape_cast %select_n3A_613 : vector<16xi32> to vector<16x1xi32>
        %gather3A_615 = vector.shape_cast %broadcast_in_dim3A_614 : vector<16x1xi32> to vector<16xi32>
        %gather3A_616 = tpu.dynamic_gather %min3A_513[%gather3A_615] in [0] : vector<16xi32>, vector<16xi32> -> vector<16xi32>
        %select_n3A_617 = arith.select %eq3A_606, %gather3A_616, %select_n3A_603 : vector<16xi1>, vector<16xi32>
        %mul3A_618 = arith.constant 4 : i32
        %mul3A_619 = arith.muli %scan3A_34, %mul3A_618 : i32
        %add3A_620 = arith.constant 2 : i32
        %add3A_621 = arith.addi %mul3A_619, %add3A_620 : i32
        %mul3A_622 = arith.constant 16 : i32
        %mul3A_623 = arith.muli %add3A_621, %mul3A_622 : i32
        %get3A_624 = arith.index_cast %mul3A_623 : i32 to index
        %get3A_625 = tpu.vector_load %arg5[%get3A_624] {strides = array<i32>} : memref<2048xf32, #tpu.memory_space<vmem>>, vector<16xf32>,
        %get3A_626 = vector.shape_cast %get3A_625 : vector<16xf32> to vector<16xf32>
        %bitcast_convert_type3A_627 = tpu.bitcast %get3A_626 : vector<16xf32> -> vector<16xi32>
        %ge3A_628 = arith.constant 0 : i32
        %ge3A_629 = vector.broadcast %ge3A_628 : i32 to vector<16xi32>
        %ge3A_630 = arith.cmpi sge, %bitcast_convert_type3A_627, %ge3A_629 : vector<16xi32>
        %sub3A_631 = arith.constant -2147483648 : i32
        %sub3A_632 = vector.broadcast %sub3A_631 : i32 to vector<16xi32>
        %sub3A_633 = arith.subi %sub3A_632, %bitcast_convert_type3A_627 : vector<16xi32>
        %select_n3A_634 = arith.select %ge3A_630, %bitcast_convert_type3A_627, %sub3A_633 : vector<16xi1>, vector<16xi32>
        %xor3A_635 = arith.constant 4 : i32
        %xor3A_636 = vector.broadcast %xor3A_635 : i32 to vector<16xi32>
        %xor3A_637 = arith.xori %iota3A, %xor3A_636 : vector<16xi32>
        %lt3A_638 = arith.constant 0 : i32
        %lt3A_639 = vector.broadcast %lt3A_638 : i32 to vector<16xi32>
        %lt3A_640 = arith.cmpi slt, %xor3A_637, %lt3A_639 : vector<16xi32>
        %add3A_641 = arith.constant 16 : i32
        %add3A_642 = vector.broadcast %add3A_641 : i32 to vector<16xi32>
        %add3A_643 = arith.addi %xor3A_637, %add3A_642 : vector<16xi32>
        %select_n3A_644 = arith.select %lt3A_640, %add3A_643, %xor3A_637 : vector<16xi1>, vector<16xi32>
        %broadcast_in_dim3A_645 = vector.shape_cast %select_n3A_644 : vector<16xi32> to vector<16x1xi32>
        %gather3A_646 = vector.shape_cast %broadcast_in_dim3A_645 : vector<16x1xi32> to vector<16xi32>
        %gather3A_647 = tpu.dynamic_gather %select_n3A_634[%gather3A_646] in [0] : vector<16xi32>, vector<16xi32> -> vector<16xi32>
        %max3A_648 = arith.maxsi %select_n3A_634, %gather3A_647 : vector<16xi32>
        %xor3A_649 = arith.constant 2 : i32
        %xor3A_650 = vector.broadcast %xor3A_649 : i32 to vector<16xi32>
        %xor3A_651 = arith.xori %iota3A, %xor3A_650 : vector<16xi32>
        %lt3A_652 = arith.constant 0 : i32
        %lt3A_653 = vector.broadcast %lt3A_652 : i32 to vector<16xi32>
        %lt3A_654 = arith.cmpi slt, %xor3A_651, %lt3A_653 : vector<16xi32>
        %add3A_655 = arith.constant 16 : i32
        %add3A_656 = vector.broadcast %add3A_655 : i32 to vector<16xi32>
        %add3A_657 = arith.addi %xor3A_651, %add3A_656 : vector<16xi32>
        %select_n3A_658 = arith.select %lt3A_654, %add3A_657, %xor3A_651 : vector<16xi1>, vector<16xi32>
        %broadcast_in_dim3A_659 = vector.shape_cast %select_n3A_658 : vector<16xi32> to vector<16x1xi32>
        %gather3A_660 = vector.shape_cast %broadcast_in_dim3A_659 : vector<16x1xi32> to vector<16xi32>
        %gather3A_661 = tpu.dynamic_gather %max3A_648[%gather3A_660] in [0] : vector<16xi32>, vector<16xi32> -> vector<16xi32>
        %max3A_662 = arith.maxsi %max3A_648, %gather3A_661 : vector<16xi32>
        %xor3A_663 = arith.constant 1 : i32
        %xor3A_664 = vector.broadcast %xor3A_663 : i32 to vector<16xi32>
        %xor3A_665 = arith.xori %iota3A, %xor3A_664 : vector<16xi32>
        %lt3A_666 = arith.constant 0 : i32
        %lt3A_667 = vector.broadcast %lt3A_666 : i32 to vector<16xi32>
        %lt3A_668 = arith.cmpi slt, %xor3A_665, %lt3A_667 : vector<16xi32>
        %add3A_669 = arith.constant 16 : i32
        %add3A_670 = vector.broadcast %add3A_669 : i32 to vector<16xi32>
        %add3A_671 = arith.addi %xor3A_665, %add3A_670 : vector<16xi32>
        %select_n3A_672 = arith.select %lt3A_668, %add3A_671, %xor3A_665 : vector<16xi1>, vector<16xi32>
        %broadcast_in_dim3A_673 = vector.shape_cast %select_n3A_672 : vector<16xi32> to vector<16x1xi32>
        %gather3A_674 = vector.shape_cast %broadcast_in_dim3A_673 : vector<16x1xi32> to vector<16xi32>
        %gather3A_675 = tpu.dynamic_gather %max3A_662[%gather3A_674] in [0] : vector<16xi32>, vector<16xi32> -> vector<16xi32>
        %max3A_676 = arith.maxsi %max3A_662, %gather3A_675 : vector<16xi32>
        %eq3A_677 = arith.cmpi eq, %select_n3A_634, %max3A_676 : vector<16xi32>
        %jit3A_678 = arith.constant 99 : i32
        %broadcast_in_dim3A_679 = vector.broadcast %jit3A_678 : i32 to vector<16xi32>
        %select_n3A_680 = arith.select %eq3A_677, %and3A_4, %broadcast_in_dim3A_679 : vector<16xi1>, vector<16xi32>
        %xor3A_681 = arith.constant 4 : i32
        %xor3A_682 = vector.broadcast %xor3A_681 : i32 to vector<16xi32>
        %xor3A_683 = arith.xori %iota3A, %xor3A_682 : vector<16xi32>
        %lt3A_684 = arith.constant 0 : i32
        %lt3A_685 = vector.broadcast %lt3A_684 : i32 to vector<16xi32>
        %lt3A_686 = arith.cmpi slt, %xor3A_683, %lt3A_685 : vector<16xi32>
        %add3A_687 = arith.constant 16 : i32
        %add3A_688 = vector.broadcast %add3A_687 : i32 to vector<16xi32>
        %add3A_689 = arith.addi %xor3A_683, %add3A_688 : vector<16xi32>
        %select_n3A_690 = arith.select %lt3A_686, %add3A_689, %xor3A_683 : vector<16xi1>, vector<16xi32>
        %broadcast_in_dim3A_691 = vector.shape_cast %select_n3A_690 : vector<16xi32> to vector<16x1xi32>
        %gather3A_692 = vector.shape_cast %broadcast_in_dim3A_691 : vector<16x1xi32> to vector<16xi32>
        %gather3A_693 = tpu.dynamic_gather %select_n3A_680[%gather3A_692] in [0] : vector<16xi32>, vector<16xi32> -> vector<16xi32>
        %min3A_694 = arith.minsi %select_n3A_680, %gather3A_693 : vector<16xi32>
        %xor3A_695 = arith.constant 2 : i32
        %xor3A_696 = vector.broadcast %xor3A_695 : i32 to vector<16xi32>
        %xor3A_697 = arith.xori %iota3A, %xor3A_696 : vector<16xi32>
        %lt3A_698 = arith.constant 0 : i32
        %lt3A_699 = vector.broadcast %lt3A_698 : i32 to vector<16xi32>
        %lt3A_700 = arith.cmpi slt, %xor3A_697, %lt3A_699 : vector<16xi32>
        %add3A_701 = arith.constant 16 : i32
        %add3A_702 = vector.broadcast %add3A_701 : i32 to vector<16xi32>
        %add3A_703 = arith.addi %xor3A_697, %add3A_702 : vector<16xi32>
        %select_n3A_704 = arith.select %lt3A_700, %add3A_703, %xor3A_697 : vector<16xi1>, vector<16xi32>
        %broadcast_in_dim3A_705 = vector.shape_cast %select_n3A_704 : vector<16xi32> to vector<16x1xi32>
        %gather3A_706 = vector.shape_cast %broadcast_in_dim3A_705 : vector<16x1xi32> to vector<16xi32>
        %gather3A_707 = tpu.dynamic_gather %min3A_694[%gather3A_706] in [0] : vector<16xi32>, vector<16xi32> -> vector<16xi32>
        %min3A_708 = arith.minsi %min3A_694, %gather3A_707 : vector<16xi32>
        %xor3A_709 = arith.constant 1 : i32
        %xor3A_710 = vector.broadcast %xor3A_709 : i32 to vector<16xi32>
        %xor3A_711 = arith.xori %iota3A, %xor3A_710 : vector<16xi32>
        %lt3A_712 = arith.constant 0 : i32
        %lt3A_713 = vector.broadcast %lt3A_712 : i32 to vector<16xi32>
        %lt3A_714 = arith.cmpi slt, %xor3A_711, %lt3A_713 : vector<16xi32>
        %add3A_715 = arith.constant 16 : i32
        %add3A_716 = vector.broadcast %add3A_715 : i32 to vector<16xi32>
        %add3A_717 = arith.addi %xor3A_711, %add3A_716 : vector<16xi32>
        %select_n3A_718 = arith.select %lt3A_714, %add3A_717, %xor3A_711 : vector<16xi1>, vector<16xi32>
        %broadcast_in_dim3A_719 = vector.shape_cast %select_n3A_718 : vector<16xi32> to vector<16x1xi32>
        %gather3A_720 = vector.shape_cast %broadcast_in_dim3A_719 : vector<16x1xi32> to vector<16xi32>
        %gather3A_721 = tpu.dynamic_gather %min3A_708[%gather3A_720] in [0] : vector<16xi32>, vector<16xi32> -> vector<16xi32>
        %min3A_722 = arith.minsi %min3A_708, %gather3A_721 : vector<16xi32>
        %eq3A_723 = arith.cmpi eq, %and3A_4, %min3A_722 : vector<16xi32>
        %select_n3A_724 = arith.select %eq3A_723, %broadcast_in_dim3A_8, %select_n3A_634 : vector<16xi1>, vector<16xi32>
        %xor3A_725 = arith.constant 4 : i32
        %xor3A_726 = vector.broadcast %xor3A_725 : i32 to vector<16xi32>
        %xor3A_727 = arith.xori %iota3A, %xor3A_726 : vector<16xi32>
        %lt3A_728 = arith.constant 0 : i32
        %lt3A_729 = vector.broadcast %lt3A_728 : i32 to vector<16xi32>
        %lt3A_730 = arith.cmpi slt, %xor3A_727, %lt3A_729 : vector<16xi32>
        %add3A_731 = arith.constant 16 : i32
        %add3A_732 = vector.broadcast %add3A_731 : i32 to vector<16xi32>
        %add3A_733 = arith.addi %xor3A_727, %add3A_732 : vector<16xi32>
        %select_n3A_734 = arith.select %lt3A_730, %add3A_733, %xor3A_727 : vector<16xi1>, vector<16xi32>
        %broadcast_in_dim3A_735 = vector.shape_cast %select_n3A_734 : vector<16xi32> to vector<16x1xi32>
        %gather3A_736 = vector.shape_cast %broadcast_in_dim3A_735 : vector<16x1xi32> to vector<16xi32>
        %gather3A_737 = tpu.dynamic_gather %select_n3A_724[%gather3A_736] in [0] : vector<16xi32>, vector<16xi32> -> vector<16xi32>
        %max3A_738 = arith.maxsi %select_n3A_724, %gather3A_737 : vector<16xi32>
        %xor3A_739 = arith.constant 2 : i32
        %xor3A_740 = vector.broadcast %xor3A_739 : i32 to vector<16xi32>
        %xor3A_741 = arith.xori %iota3A, %xor3A_740 : vector<16xi32>
        %lt3A_742 = arith.constant 0 : i32
        %lt3A_743 = vector.broadcast %lt3A_742 : i32 to vector<16xi32>
        %lt3A_744 = arith.cmpi slt, %xor3A_741, %lt3A_743 : vector<16xi32>
        %add3A_745 = arith.constant 16 : i32
        %add3A_746 = vector.broadcast %add3A_745 : i32 to vector<16xi32>
        %add3A_747 = arith.addi %xor3A_741, %add3A_746 : vector<16xi32>
        %select_n3A_748 = arith.select %lt3A_744, %add3A_747, %xor3A_741 : vector<16xi1>, vector<16xi32>
        %broadcast_in_dim3A_749 = vector.shape_cast %select_n3A_748 : vector<16xi32> to vector<16x1xi32>
        %gather3A_750 = vector.shape_cast %broadcast_in_dim3A_749 : vector<16x1xi32> to vector<16xi32>
        %gather3A_751 = tpu.dynamic_gather %max3A_738[%gather3A_750] in [0] : vector<16xi32>, vector<16xi32> -> vector<16xi32>
        %max3A_752 = arith.maxsi %max3A_738, %gather3A_751 : vector<16xi32>
        %xor3A_753 = arith.constant 1 : i32
        %xor3A_754 = vector.broadcast %xor3A_753 : i32 to vector<16xi32>
        %xor3A_755 = arith.xori %iota3A, %xor3A_754 : vector<16xi32>
        %lt3A_756 = arith.constant 0 : i32
        %lt3A_757 = vector.broadcast %lt3A_756 : i32 to vector<16xi32>
        %lt3A_758 = arith.cmpi slt, %xor3A_755, %lt3A_757 : vector<16xi32>
        %add3A_759 = arith.constant 16 : i32
        %add3A_760 = vector.broadcast %add3A_759 : i32 to vector<16xi32>
        %add3A_761 = arith.addi %xor3A_755, %add3A_760 : vector<16xi32>
        %select_n3A_762 = arith.select %lt3A_758, %add3A_761, %xor3A_755 : vector<16xi1>, vector<16xi32>
        %broadcast_in_dim3A_763 = vector.shape_cast %select_n3A_762 : vector<16xi32> to vector<16x1xi32>
        %gather3A_764 = vector.shape_cast %broadcast_in_dim3A_763 : vector<16x1xi32> to vector<16xi32>
        %gather3A_765 = tpu.dynamic_gather %max3A_752[%gather3A_764] in [0] : vector<16xi32>, vector<16xi32> -> vector<16xi32>
        %max3A_766 = arith.maxsi %max3A_752, %gather3A_765 : vector<16xi32>
        %eq3A_767 = arith.cmpi eq, %select_n3A_724, %max3A_766 : vector<16xi32>
        %jit3A_768 = arith.constant 99 : i32
        %broadcast_in_dim3A_769 = vector.broadcast %jit3A_768 : i32 to vector<16xi32>
        %select_n3A_770 = arith.select %eq3A_767, %and3A_4, %broadcast_in_dim3A_769 : vector<16xi1>, vector<16xi32>
        %xor3A_771 = arith.constant 4 : i32
        %xor3A_772 = vector.broadcast %xor3A_771 : i32 to vector<16xi32>
        %xor3A_773 = arith.xori %iota3A, %xor3A_772 : vector<16xi32>
        %lt3A_774 = arith.constant 0 : i32
        %lt3A_775 = vector.broadcast %lt3A_774 : i32 to vector<16xi32>
        %lt3A_776 = arith.cmpi slt, %xor3A_773, %lt3A_775 : vector<16xi32>
        %add3A_777 = arith.constant 16 : i32
        %add3A_778 = vector.broadcast %add3A_777 : i32 to vector<16xi32>
        %add3A_779 = arith.addi %xor3A_773, %add3A_778 : vector<16xi32>
        %select_n3A_780 = arith.select %lt3A_776, %add3A_779, %xor3A_773 : vector<16xi1>, vector<16xi32>
        %broadcast_in_dim3A_781 = vector.shape_cast %select_n3A_780 : vector<16xi32> to vector<16x1xi32>
        %gather3A_782 = vector.shape_cast %broadcast_in_dim3A_781 : vector<16x1xi32> to vector<16xi32>
        %gather3A_783 = tpu.dynamic_gather %select_n3A_770[%gather3A_782] in [0] : vector<16xi32>, vector<16xi32> -> vector<16xi32>
        %min3A_784 = arith.minsi %select_n3A_770, %gather3A_783 : vector<16xi32>
        %xor3A_785 = arith.constant 2 : i32
        %xor3A_786 = vector.broadcast %xor3A_785 : i32 to vector<16xi32>
        %xor3A_787 = arith.xori %iota3A, %xor3A_786 : vector<16xi32>
        %lt3A_788 = arith.constant 0 : i32
        %lt3A_789 = vector.broadcast %lt3A_788 : i32 to vector<16xi32>
        %lt3A_790 = arith.cmpi slt, %xor3A_787, %lt3A_789 : vector<16xi32>
        %add3A_791 = arith.constant 16 : i32
        %add3A_792 = vector.broadcast %add3A_791 : i32 to vector<16xi32>
        %add3A_793 = arith.addi %xor3A_787, %add3A_792 : vector<16xi32>
        %select_n3A_794 = arith.select %lt3A_790, %add3A_793, %xor3A_787 : vector<16xi1>, vector<16xi32>
        %broadcast_in_dim3A_795 = vector.shape_cast %select_n3A_794 : vector<16xi32> to vector<16x1xi32>
        %gather3A_796 = vector.shape_cast %broadcast_in_dim3A_795 : vector<16x1xi32> to vector<16xi32>
        %gather3A_797 = tpu.dynamic_gather %min3A_784[%gather3A_796] in [0] : vector<16xi32>, vector<16xi32> -> vector<16xi32>
        %min3A_798 = arith.minsi %min3A_784, %gather3A_797 : vector<16xi32>
        %xor3A_799 = arith.constant 1 : i32
        %xor3A_800 = vector.broadcast %xor3A_799 : i32 to vector<16xi32>
        %xor3A_801 = arith.xori %iota3A, %xor3A_800 : vector<16xi32>
        %lt3A_802 = arith.constant 0 : i32
        %lt3A_803 = vector.broadcast %lt3A_802 : i32 to vector<16xi32>
        %lt3A_804 = arith.cmpi slt, %xor3A_801, %lt3A_803 : vector<16xi32>
        %add3A_805 = arith.constant 16 : i32
        %add3A_806 = vector.broadcast %add3A_805 : i32 to vector<16xi32>
        %add3A_807 = arith.addi %xor3A_801, %add3A_806 : vector<16xi32>
        %select_n3A_808 = arith.select %lt3A_804, %add3A_807, %xor3A_801 : vector<16xi1>, vector<16xi32>
        %broadcast_in_dim3A_809 = vector.shape_cast %select_n3A_808 : vector<16xi32> to vector<16x1xi32>
        %gather3A_810 = vector.shape_cast %broadcast_in_dim3A_809 : vector<16x1xi32> to vector<16xi32>
        %gather3A_811 = tpu.dynamic_gather %min3A_798[%gather3A_810] in [0] : vector<16xi32>, vector<16xi32> -> vector<16xi32>
        %min3A_812 = arith.minsi %min3A_798, %gather3A_811 : vector<16xi32>
        %add3A_813 = arith.addi %min3A_722, %and3A_7 : vector<16xi32>
        %lt3A_814 = arith.constant 0 : i32
        %lt3A_815 = vector.broadcast %lt3A_814 : i32 to vector<16xi32>
        %lt3A_816 = arith.cmpi slt, %add3A_813, %lt3A_815 : vector<16xi32>
        %add3A_817 = arith.constant 16 : i32
        %add3A_818 = vector.broadcast %add3A_817 : i32 to vector<16xi32>
        %add3A_819 = arith.addi %add3A_813, %add3A_818 : vector<16xi32>
        %select_n3A_820 = arith.select %lt3A_816, %add3A_819, %add3A_813 : vector<16xi1>, vector<16xi32>
        %broadcast_in_dim3A_821 = vector.shape_cast %select_n3A_820 : vector<16xi32> to vector<16x1xi32>
        %gather3A_822 = vector.shape_cast %broadcast_in_dim3A_821 : vector<16x1xi32> to vector<16xi32>
        %gather3A_823 = tpu.dynamic_gather %get3A_626[%gather3A_822] in [0] : vector<16xf32>, vector<16xi32> -> vector<16xf32>
        %add3A_824 = arith.addi %min3A_812, %and3A_7 : vector<16xi32>
        %lt3A_825 = arith.constant 0 : i32
        %lt3A_826 = vector.broadcast %lt3A_825 : i32 to vector<16xi32>
        %lt3A_827 = arith.cmpi slt, %add3A_824, %lt3A_826 : vector<16xi32>
        %add3A_828 = arith.constant 16 : i32
        %add3A_829 = vector.broadcast %add3A_828 : i32 to vector<16xi32>
        %add3A_830 = arith.addi %add3A_824, %add3A_829 : vector<16xi32>
        %select_n3A_831 = arith.select %lt3A_827, %add3A_830, %add3A_824 : vector<16xi1>, vector<16xi32>
        %broadcast_in_dim3A_832 = vector.shape_cast %select_n3A_831 : vector<16xi32> to vector<16x1xi32>
        %gather3A_833 = vector.shape_cast %broadcast_in_dim3A_832 : vector<16x1xi32> to vector<16xi32>
        %gather3A_834 = tpu.dynamic_gather %get3A_626[%gather3A_833] in [0] : vector<16xf32>, vector<16xi32> -> vector<16xf32>
        %sub3A_835 = arith.subf %gather3A_834, %gather3A_823 : vector<16xf32>
        %exp3A_836 = math.exp %sub3A_835 : vector<16xf32>
        %add3A_837 = arith.constant 1.000000e+00 : f32
        %add3A_838 = vector.broadcast %add3A_837 : f32 to vector<16xf32>
        %add3A_839 = arith.addf %add3A_838, %exp3A_836 : vector<16xf32>
        %div3A_840 = arith.constant 1.000000e+00 : f32
        %div3A_841 = vector.broadcast %div3A_840 : f32 to vector<16xf32>
        %div3A_842 = arith.divf %div3A_841, %add3A_839 : vector<16xf32>
        %mul3A_843 = arith.mulf %add3A_839, %div3A_842 : vector<16xf32>
        %sub3A_844 = arith.constant 2.000000e+00 : f32
        %sub3A_845 = vector.broadcast %sub3A_844 : f32 to vector<16xf32>
        %sub3A_846 = arith.subf %sub3A_845, %mul3A_843 : vector<16xf32>
        %mul3A_847 = arith.mulf %div3A_842, %sub3A_846 : vector<16xf32>
        %mul3A_848 = arith.mulf %exp3A_836, %mul3A_847 : vector<16xf32>
        %eq3A_849 = arith.cmpi eq, %and3A_4, %min3A_722 : vector<16xi32>
        %eq3A_850 = arith.cmpi eq, %and3A_4, %min3A_812 : vector<16xi32>
        %jit3A_851 = arith.constant 0.000000e+00 : f32
        %broadcast_in_dim3A_852 = vector.broadcast %jit3A_851 : f32 to vector<16xf32>
        %select_n3A_853 = arith.select %eq3A_850, %mul3A_848, %broadcast_in_dim3A_852 : vector<16xi1>, vector<16xf32>
        %select_n3A_854 = arith.select %eq3A_849, %mul3A_847, %select_n3A_853 : vector<16xi1>, vector<16xf32>
        %mul3A_855 = arith.constant 16 : i32
        %mul3A_856 = arith.muli %add3A_621, %mul3A_855 : i32
        %swap3A_857 = arith.index_cast %mul3A_856 : i32 to index
        %swap3A_858 = tpu.vector_load %arg6[%swap3A_857] {strides = array<i32>} : memref<2048xf32, #tpu.memory_space<vmem>>, vector<16xf32>,
        %swap3A_859 = vector.shape_cast %swap3A_858 : vector<16xf32> to vector<16xf32>
        %swap3A_860 = vector.shape_cast %select_n3A_854 : vector<16xf32> to vector<16xf32>
        tpu.vector_store %arg6[%swap3A_857], %swap3A_860 {strides = array<i32>} : memref<2048xf32, #tpu.memory_space<vmem>>, vector<16xf32>,
        %eq3A_861 = arith.constant 8 : i32
        %eq3A_862 = vector.broadcast %eq3A_861 : i32 to vector<16xi32>
        %eq3A_863 = arith.cmpi eq, %iota3A, %eq3A_862 : vector<16xi32>
        %lt3A_864 = arith.constant 0 : i32
        %lt3A_865 = vector.broadcast %lt3A_864 : i32 to vector<16xi32>
        %lt3A_866 = arith.cmpi slt, %broadcast_in_dim3A_10, %lt3A_865 : vector<16xi32>
        %add3A_867 = arith.constant 16 : i32
        %add3A_868 = vector.broadcast %add3A_867 : i32 to vector<16xi32>
        %add3A_869 = arith.addi %broadcast_in_dim3A_10, %add3A_868 : vector<16xi32>
        %select_n3A_870 = arith.select %lt3A_866, %add3A_869, %broadcast_in_dim3A_10 : vector<16xi1>, vector<16xi32>
        %broadcast_in_dim3A_871 = vector.shape_cast %select_n3A_870 : vector<16xi32> to vector<16x1xi32>
        %gather3A_872 = vector.shape_cast %broadcast_in_dim3A_871 : vector<16x1xi32> to vector<16xi32>
        %gather3A_873 = tpu.dynamic_gather %min3A_722[%gather3A_872] in [0] : vector<16xi32>, vector<16xi32> -> vector<16xi32>
        %select_n3A_874 = arith.select %eq3A_863, %gather3A_873, %select_n3A_617 : vector<16xi1>, vector<16xi32>
        %eq3A_875 = arith.constant 9 : i32
        %eq3A_876 = vector.broadcast %eq3A_875 : i32 to vector<16xi32>
        %eq3A_877 = arith.cmpi eq, %iota3A, %eq3A_876 : vector<16xi32>
        %lt3A_878 = arith.constant 0 : i32
        %lt3A_879 = vector.broadcast %lt3A_878 : i32 to vector<16xi32>
        %lt3A_880 = arith.cmpi slt, %broadcast_in_dim3A_10, %lt3A_879 : vector<16xi32>
        %add3A_881 = arith.constant 16 : i32
        %add3A_882 = vector.broadcast %add3A_881 : i32 to vector<16xi32>
        %add3A_883 = arith.addi %broadcast_in_dim3A_10, %add3A_882 : vector<16xi32>
        %select_n3A_884 = arith.select %lt3A_880, %add3A_883, %broadcast_in_dim3A_10 : vector<16xi1>, vector<16xi32>
        %broadcast_in_dim3A_885 = vector.shape_cast %select_n3A_884 : vector<16xi32> to vector<16x1xi32>
        %gather3A_886 = vector.shape_cast %broadcast_in_dim3A_885 : vector<16x1xi32> to vector<16xi32>
        %gather3A_887 = tpu.dynamic_gather %min3A_812[%gather3A_886] in [0] : vector<16xi32>, vector<16xi32> -> vector<16xi32>
        %select_n3A_888 = arith.select %eq3A_877, %gather3A_887, %select_n3A_874 : vector<16xi1>, vector<16xi32>
        %eq3A_889 = arith.constant 10 : i32
        %eq3A_890 = vector.broadcast %eq3A_889 : i32 to vector<16xi32>
        %eq3A_891 = arith.cmpi eq, %iota3A, %eq3A_890 : vector<16xi32>
        %lt3A_892 = arith.constant 0 : i32
        %lt3A_893 = vector.broadcast %lt3A_892 : i32 to vector<16xi32>
        %lt3A_894 = arith.cmpi slt, %broadcast_in_dim3A_12, %lt3A_893 : vector<16xi32>
        %add3A_895 = arith.constant 16 : i32
        %add3A_896 = vector.broadcast %add3A_895 : i32 to vector<16xi32>
        %add3A_897 = arith.addi %broadcast_in_dim3A_12, %add3A_896 : vector<16xi32>
        %select_n3A_898 = arith.select %lt3A_894, %add3A_897, %broadcast_in_dim3A_12 : vector<16xi1>, vector<16xi32>
        %broadcast_in_dim3A_899 = vector.shape_cast %select_n3A_898 : vector<16xi32> to vector<16x1xi32>
        %gather3A_900 = vector.shape_cast %broadcast_in_dim3A_899 : vector<16x1xi32> to vector<16xi32>
        %gather3A_901 = tpu.dynamic_gather %min3A_722[%gather3A_900] in [0] : vector<16xi32>, vector<16xi32> -> vector<16xi32>
        %select_n3A_902 = arith.select %eq3A_891, %gather3A_901, %select_n3A_888 : vector<16xi1>, vector<16xi32>
        %eq3A_903 = arith.constant 11 : i32
        %eq3A_904 = vector.broadcast %eq3A_903 : i32 to vector<16xi32>
        %eq3A_905 = arith.cmpi eq, %iota3A, %eq3A_904 : vector<16xi32>
        %lt3A_906 = arith.constant 0 : i32
        %lt3A_907 = vector.broadcast %lt3A_906 : i32 to vector<16xi32>
        %lt3A_908 = arith.cmpi slt, %broadcast_in_dim3A_12, %lt3A_907 : vector<16xi32>
        %add3A_909 = arith.constant 16 : i32
        %add3A_910 = vector.broadcast %add3A_909 : i32 to vector<16xi32>
        %add3A_911 = arith.addi %broadcast_in_dim3A_12, %add3A_910 : vector<16xi32>
        %select_n3A_912 = arith.select %lt3A_908, %add3A_911, %broadcast_in_dim3A_12 : vector<16xi1>, vector<16xi32>
        %broadcast_in_dim3A_913 = vector.shape_cast %select_n3A_912 : vector<16xi32> to vector<16x1xi32>
        %gather3A_914 = vector.shape_cast %broadcast_in_dim3A_913 : vector<16x1xi32> to vector<16xi32>
        %gather3A_915 = tpu.dynamic_gather %min3A_812[%gather3A_914] in [0] : vector<16xi32>, vector<16xi32> -> vector<16xi32>
        %select_n3A_916 = arith.select %eq3A_905, %gather3A_915, %select_n3A_902 : vector<16xi1>, vector<16xi32>
        %mul3A_917 = arith.constant 4 : i32
        %mul3A_918 = arith.muli %scan3A_34, %mul3A_917 : i32
        %add3A_919 = arith.constant 3 : i32
        %add3A_920 = arith.addi %mul3A_918, %add3A_919 : i32
        %mul3A_921 = arith.constant 16 : i32
        %mul3A_922 = arith.muli %add3A_920, %mul3A_921 : i32
        %get3A_923 = arith.index_cast %mul3A_922 : i32 to index
        %get3A_924 = tpu.vector_load %arg5[%get3A_923] {strides = array<i32>} : memref<2048xf32, #tpu.memory_space<vmem>>, vector<16xf32>,
        %get3A_925 = vector.shape_cast %get3A_924 : vector<16xf32> to vector<16xf32>
        %bitcast_convert_type3A_926 = tpu.bitcast %get3A_925 : vector<16xf32> -> vector<16xi32>
        %ge3A_927 = arith.constant 0 : i32
        %ge3A_928 = vector.broadcast %ge3A_927 : i32 to vector<16xi32>
        %ge3A_929 = arith.cmpi sge, %bitcast_convert_type3A_926, %ge3A_928 : vector<16xi32>
        %sub3A_930 = arith.constant -2147483648 : i32
        %sub3A_931 = vector.broadcast %sub3A_930 : i32 to vector<16xi32>
        %sub3A_932 = arith.subi %sub3A_931, %bitcast_convert_type3A_926 : vector<16xi32>
        %select_n3A_933 = arith.select %ge3A_929, %bitcast_convert_type3A_926, %sub3A_932 : vector<16xi1>, vector<16xi32>
        %xor3A_934 = arith.constant 4 : i32
        %xor3A_935 = vector.broadcast %xor3A_934 : i32 to vector<16xi32>
        %xor3A_936 = arith.xori %iota3A, %xor3A_935 : vector<16xi32>
        %lt3A_937 = arith.constant 0 : i32
        %lt3A_938 = vector.broadcast %lt3A_937 : i32 to vector<16xi32>
        %lt3A_939 = arith.cmpi slt, %xor3A_936, %lt3A_938 : vector<16xi32>
        %add3A_940 = arith.constant 16 : i32
        %add3A_941 = vector.broadcast %add3A_940 : i32 to vector<16xi32>
        %add3A_942 = arith.addi %xor3A_936, %add3A_941 : vector<16xi32>
        %select_n3A_943 = arith.select %lt3A_939, %add3A_942, %xor3A_936 : vector<16xi1>, vector<16xi32>
        %broadcast_in_dim3A_944 = vector.shape_cast %select_n3A_943 : vector<16xi32> to vector<16x1xi32>
        %gather3A_945 = vector.shape_cast %broadcast_in_dim3A_944 : vector<16x1xi32> to vector<16xi32>
        %gather3A_946 = tpu.dynamic_gather %select_n3A_933[%gather3A_945] in [0] : vector<16xi32>, vector<16xi32> -> vector<16xi32>
        %max3A_947 = arith.maxsi %select_n3A_933, %gather3A_946 : vector<16xi32>
        %xor3A_948 = arith.constant 2 : i32
        %xor3A_949 = vector.broadcast %xor3A_948 : i32 to vector<16xi32>
        %xor3A_950 = arith.xori %iota3A, %xor3A_949 : vector<16xi32>
        %lt3A_951 = arith.constant 0 : i32
        %lt3A_952 = vector.broadcast %lt3A_951 : i32 to vector<16xi32>
        %lt3A_953 = arith.cmpi slt, %xor3A_950, %lt3A_952 : vector<16xi32>
        %add3A_954 = arith.constant 16 : i32
        %add3A_955 = vector.broadcast %add3A_954 : i32 to vector<16xi32>
        %add3A_956 = arith.addi %xor3A_950, %add3A_955 : vector<16xi32>
        %select_n3A_957 = arith.select %lt3A_953, %add3A_956, %xor3A_950 : vector<16xi1>, vector<16xi32>
        %broadcast_in_dim3A_958 = vector.shape_cast %select_n3A_957 : vector<16xi32> to vector<16x1xi32>
        %gather3A_959 = vector.shape_cast %broadcast_in_dim3A_958 : vector<16x1xi32> to vector<16xi32>
        %gather3A_960 = tpu.dynamic_gather %max3A_947[%gather3A_959] in [0] : vector<16xi32>, vector<16xi32> -> vector<16xi32>
        %max3A_961 = arith.maxsi %max3A_947, %gather3A_960 : vector<16xi32>
        %xor3A_962 = arith.constant 1 : i32
        %xor3A_963 = vector.broadcast %xor3A_962 : i32 to vector<16xi32>
        %xor3A_964 = arith.xori %iota3A, %xor3A_963 : vector<16xi32>
        %lt3A_965 = arith.constant 0 : i32
        %lt3A_966 = vector.broadcast %lt3A_965 : i32 to vector<16xi32>
        %lt3A_967 = arith.cmpi slt, %xor3A_964, %lt3A_966 : vector<16xi32>
        %add3A_968 = arith.constant 16 : i32
        %add3A_969 = vector.broadcast %add3A_968 : i32 to vector<16xi32>
        %add3A_970 = arith.addi %xor3A_964, %add3A_969 : vector<16xi32>
        %select_n3A_971 = arith.select %lt3A_967, %add3A_970, %xor3A_964 : vector<16xi1>, vector<16xi32>
        %broadcast_in_dim3A_972 = vector.shape_cast %select_n3A_971 : vector<16xi32> to vector<16x1xi32>
        %gather3A_973 = vector.shape_cast %broadcast_in_dim3A_972 : vector<16x1xi32> to vector<16xi32>
        %gather3A_974 = tpu.dynamic_gather %max3A_961[%gather3A_973] in [0] : vector<16xi32>, vector<16xi32> -> vector<16xi32>
        %max3A_975 = arith.maxsi %max3A_961, %gather3A_974 : vector<16xi32>
        %eq3A_976 = arith.cmpi eq, %select_n3A_933, %max3A_975 : vector<16xi32>
        %jit3A_977 = arith.constant 99 : i32
        %broadcast_in_dim3A_978 = vector.broadcast %jit3A_977 : i32 to vector<16xi32>
        %select_n3A_979 = arith.select %eq3A_976, %and3A_4, %broadcast_in_dim3A_978 : vector<16xi1>, vector<16xi32>
        %xor3A_980 = arith.constant 4 : i32
        %xor3A_981 = vector.broadcast %xor3A_980 : i32 to vector<16xi32>
        %xor3A_982 = arith.xori %iota3A, %xor3A_981 : vector<16xi32>
        %lt3A_983 = arith.constant 0 : i32
        %lt3A_984 = vector.broadcast %lt3A_983 : i32 to vector<16xi32>
        %lt3A_985 = arith.cmpi slt, %xor3A_982, %lt3A_984 : vector<16xi32>
        %add3A_986 = arith.constant 16 : i32
        %add3A_987 = vector.broadcast %add3A_986 : i32 to vector<16xi32>
        %add3A_988 = arith.addi %xor3A_982, %add3A_987 : vector<16xi32>
        %select_n3A_989 = arith.select %lt3A_985, %add3A_988, %xor3A_982 : vector<16xi1>, vector<16xi32>
        %broadcast_in_dim3A_990 = vector.shape_cast %select_n3A_989 : vector<16xi32> to vector<16x1xi32>
        %gather3A_991 = vector.shape_cast %broadcast_in_dim3A_990 : vector<16x1xi32> to vector<16xi32>
        %gather3A_992 = tpu.dynamic_gather %select_n3A_979[%gather3A_991] in [0] : vector<16xi32>, vector<16xi32> -> vector<16xi32>
        %min3A_993 = arith.minsi %select_n3A_979, %gather3A_992 : vector<16xi32>
        %xor3A_994 = arith.constant 2 : i32
        %xor3A_995 = vector.broadcast %xor3A_994 : i32 to vector<16xi32>
        %xor3A_996 = arith.xori %iota3A, %xor3A_995 : vector<16xi32>
        %lt3A_997 = arith.constant 0 : i32
        %lt3A_998 = vector.broadcast %lt3A_997 : i32 to vector<16xi32>
        %lt3A_999 = arith.cmpi slt, %xor3A_996, %lt3A_998 : vector<16xi32>
        %add3A_1000 = arith.constant 16 : i32
        %add3A_1001 = vector.broadcast %add3A_1000 : i32 to vector<16xi32>
        %add3A_1002 = arith.addi %xor3A_996, %add3A_1001 : vector<16xi32>
        %select_n3A_1003 = arith.select %lt3A_999, %add3A_1002, %xor3A_996 : vector<16xi1>, vector<16xi32>
        %broadcast_in_dim3A_1004 = vector.shape_cast %select_n3A_1003 : vector<16xi32> to vector<16x1xi32>
        %gather3A_1005 = vector.shape_cast %broadcast_in_dim3A_1004 : vector<16x1xi32> to vector<16xi32>
        %gather3A_1006 = tpu.dynamic_gather %min3A_993[%gather3A_1005] in [0] : vector<16xi32>, vector<16xi32> -> vector<16xi32>
        %min3A_1007 = arith.minsi %min3A_993, %gather3A_1006 : vector<16xi32>
        %xor3A_1008 = arith.constant 1 : i32
        %xor3A_1009 = vector.broadcast %xor3A_1008 : i32 to vector<16xi32>
        %xor3A_1010 = arith.xori %iota3A, %xor3A_1009 : vector<16xi32>
        %lt3A_1011 = arith.constant 0 : i32
        %lt3A_1012 = vector.broadcast %lt3A_1011 : i32 to vector<16xi32>
        %lt3A_1013 = arith.cmpi slt, %xor3A_1010, %lt3A_1012 : vector<16xi32>
        %add3A_1014 = arith.constant 16 : i32
        %add3A_1015 = vector.broadcast %add3A_1014 : i32 to vector<16xi32>
        %add3A_1016 = arith.addi %xor3A_1010, %add3A_1015 : vector<16xi32>
        %select_n3A_1017 = arith.select %lt3A_1013, %add3A_1016, %xor3A_1010 : vector<16xi1>, vector<16xi32>
        %broadcast_in_dim3A_1018 = vector.shape_cast %select_n3A_1017 : vector<16xi32> to vector<16x1xi32>
        %gather3A_1019 = vector.shape_cast %broadcast_in_dim3A_1018 : vector<16x1xi32> to vector<16xi32>
        %gather3A_1020 = tpu.dynamic_gather %min3A_1007[%gather3A_1019] in [0] : vector<16xi32>, vector<16xi32> -> vector<16xi32>
        %min3A_1021 = arith.minsi %min3A_1007, %gather3A_1020 : vector<16xi32>
        %eq3A_1022 = arith.cmpi eq, %and3A_4, %min3A_1021 : vector<16xi32>
        %select_n3A_1023 = arith.select %eq3A_1022, %broadcast_in_dim3A_8, %select_n3A_933 : vector<16xi1>, vector<16xi32>
        %xor3A_1024 = arith.constant 4 : i32
        %xor3A_1025 = vector.broadcast %xor3A_1024 : i32 to vector<16xi32>
        %xor3A_1026 = arith.xori %iota3A, %xor3A_1025 : vector<16xi32>
        %lt3A_1027 = arith.constant 0 : i32
        %lt3A_1028 = vector.broadcast %lt3A_1027 : i32 to vector<16xi32>
        %lt3A_1029 = arith.cmpi slt, %xor3A_1026, %lt3A_1028 : vector<16xi32>
        %add3A_1030 = arith.constant 16 : i32
        %add3A_1031 = vector.broadcast %add3A_1030 : i32 to vector<16xi32>
        %add3A_1032 = arith.addi %xor3A_1026, %add3A_1031 : vector<16xi32>
        %select_n3A_1033 = arith.select %lt3A_1029, %add3A_1032, %xor3A_1026 : vector<16xi1>, vector<16xi32>
        %broadcast_in_dim3A_1034 = vector.shape_cast %select_n3A_1033 : vector<16xi32> to vector<16x1xi32>
        %gather3A_1035 = vector.shape_cast %broadcast_in_dim3A_1034 : vector<16x1xi32> to vector<16xi32>
        %gather3A_1036 = tpu.dynamic_gather %select_n3A_1023[%gather3A_1035] in [0] : vector<16xi32>, vector<16xi32> -> vector<16xi32>
        %max3A_1037 = arith.maxsi %select_n3A_1023, %gather3A_1036 : vector<16xi32>
        %xor3A_1038 = arith.constant 2 : i32
        %xor3A_1039 = vector.broadcast %xor3A_1038 : i32 to vector<16xi32>
        %xor3A_1040 = arith.xori %iota3A, %xor3A_1039 : vector<16xi32>
        %lt3A_1041 = arith.constant 0 : i32
        %lt3A_1042 = vector.broadcast %lt3A_1041 : i32 to vector<16xi32>
        %lt3A_1043 = arith.cmpi slt, %xor3A_1040, %lt3A_1042 : vector<16xi32>
        %add3A_1044 = arith.constant 16 : i32
        %add3A_1045 = vector.broadcast %add3A_1044 : i32 to vector<16xi32>
        %add3A_1046 = arith.addi %xor3A_1040, %add3A_1045 : vector<16xi32>
        %select_n3A_1047 = arith.select %lt3A_1043, %add3A_1046, %xor3A_1040 : vector<16xi1>, vector<16xi32>
        %broadcast_in_dim3A_1048 = vector.shape_cast %select_n3A_1047 : vector<16xi32> to vector<16x1xi32>
        %gather3A_1049 = vector.shape_cast %broadcast_in_dim3A_1048 : vector<16x1xi32> to vector<16xi32>
        %gather3A_1050 = tpu.dynamic_gather %max3A_1037[%gather3A_1049] in [0] : vector<16xi32>, vector<16xi32> -> vector<16xi32>
        %max3A_1051 = arith.maxsi %max3A_1037, %gather3A_1050 : vector<16xi32>
        %xor3A_1052 = arith.constant 1 : i32
        %xor3A_1053 = vector.broadcast %xor3A_1052 : i32 to vector<16xi32>
        %xor3A_1054 = arith.xori %iota3A, %xor3A_1053 : vector<16xi32>
        %lt3A_1055 = arith.constant 0 : i32
        %lt3A_1056 = vector.broadcast %lt3A_1055 : i32 to vector<16xi32>
        %lt3A_1057 = arith.cmpi slt, %xor3A_1054, %lt3A_1056 : vector<16xi32>
        %add3A_1058 = arith.constant 16 : i32
        %add3A_1059 = vector.broadcast %add3A_1058 : i32 to vector<16xi32>
        %add3A_1060 = arith.addi %xor3A_1054, %add3A_1059 : vector<16xi32>
        %select_n3A_1061 = arith.select %lt3A_1057, %add3A_1060, %xor3A_1054 : vector<16xi1>, vector<16xi32>
        %broadcast_in_dim3A_1062 = vector.shape_cast %select_n3A_1061 : vector<16xi32> to vector<16x1xi32>
        %gather3A_1063 = vector.shape_cast %broadcast_in_dim3A_1062 : vector<16x1xi32> to vector<16xi32>
        %gather3A_1064 = tpu.dynamic_gather %max3A_1051[%gather3A_1063] in [0] : vector<16xi32>, vector<16xi32> -> vector<16xi32>
        %max3A_1065 = arith.maxsi %max3A_1051, %gather3A_1064 : vector<16xi32>
        %eq3A_1066 = arith.cmpi eq, %select_n3A_1023, %max3A_1065 : vector<16xi32>
        %jit3A_1067 = arith.constant 99 : i32
        %broadcast_in_dim3A_1068 = vector.broadcast %jit3A_1067 : i32 to vector<16xi32>
        %select_n3A_1069 = arith.select %eq3A_1066, %and3A_4, %broadcast_in_dim3A_1068 : vector<16xi1>, vector<16xi32>
        %xor3A_1070 = arith.constant 4 : i32
        %xor3A_1071 = vector.broadcast %xor3A_1070 : i32 to vector<16xi32>
        %xor3A_1072 = arith.xori %iota3A, %xor3A_1071 : vector<16xi32>
        %lt3A_1073 = arith.constant 0 : i32
        %lt3A_1074 = vector.broadcast %lt3A_1073 : i32 to vector<16xi32>
        %lt3A_1075 = arith.cmpi slt, %xor3A_1072, %lt3A_1074 : vector<16xi32>
        %add3A_1076 = arith.constant 16 : i32
        %add3A_1077 = vector.broadcast %add3A_1076 : i32 to vector<16xi32>
        %add3A_1078 = arith.addi %xor3A_1072, %add3A_1077 : vector<16xi32>
        %select_n3A_1079 = arith.select %lt3A_1075, %add3A_1078, %xor3A_1072 : vector<16xi1>, vector<16xi32>
        %broadcast_in_dim3A_1080 = vector.shape_cast %select_n3A_1079 : vector<16xi32> to vector<16x1xi32>
        %gather3A_1081 = vector.shape_cast %broadcast_in_dim3A_1080 : vector<16x1xi32> to vector<16xi32>
        %gather3A_1082 = tpu.dynamic_gather %select_n3A_1069[%gather3A_1081] in [0] : vector<16xi32>, vector<16xi32> -> vector<16xi32>
        %min3A_1083 = arith.minsi %select_n3A_1069, %gather3A_1082 : vector<16xi32>
        %xor3A_1084 = arith.constant 2 : i32
        %xor3A_1085 = vector.broadcast %xor3A_1084 : i32 to vector<16xi32>
        %xor3A_1086 = arith.xori %iota3A, %xor3A_1085 : vector<16xi32>
        %lt3A_1087 = arith.constant 0 : i32
        %lt3A_1088 = vector.broadcast %lt3A_1087 : i32 to vector<16xi32>
        %lt3A_1089 = arith.cmpi slt, %xor3A_1086, %lt3A_1088 : vector<16xi32>
        %add3A_1090 = arith.constant 16 : i32
        %add3A_1091 = vector.broadcast %add3A_1090 : i32 to vector<16xi32>
        %add3A_1092 = arith.addi %xor3A_1086, %add3A_1091 : vector<16xi32>
        %select_n3A_1093 = arith.select %lt3A_1089, %add3A_1092, %xor3A_1086 : vector<16xi1>, vector<16xi32>
        %broadcast_in_dim3A_1094 = vector.shape_cast %select_n3A_1093 : vector<16xi32> to vector<16x1xi32>
        %gather3A_1095 = vector.shape_cast %broadcast_in_dim3A_1094 : vector<16x1xi32> to vector<16xi32>
        %gather3A_1096 = tpu.dynamic_gather %min3A_1083[%gather3A_1095] in [0] : vector<16xi32>, vector<16xi32> -> vector<16xi32>
        %min3A_1097 = arith.minsi %min3A_1083, %gather3A_1096 : vector<16xi32>
        %xor3A_1098 = arith.constant 1 : i32
        %xor3A_1099 = vector.broadcast %xor3A_1098 : i32 to vector<16xi32>
        %xor3A_1100 = arith.xori %iota3A, %xor3A_1099 : vector<16xi32>
        %lt3A_1101 = arith.constant 0 : i32
        %lt3A_1102 = vector.broadcast %lt3A_1101 : i32 to vector<16xi32>
        %lt3A_1103 = arith.cmpi slt, %xor3A_1100, %lt3A_1102 : vector<16xi32>
        %add3A_1104 = arith.constant 16 : i32
        %add3A_1105 = vector.broadcast %add3A_1104 : i32 to vector<16xi32>
        %add3A_1106 = arith.addi %xor3A_1100, %add3A_1105 : vector<16xi32>
        %select_n3A_1107 = arith.select %lt3A_1103, %add3A_1106, %xor3A_1100 : vector<16xi1>, vector<16xi32>
        %broadcast_in_dim3A_1108 = vector.shape_cast %select_n3A_1107 : vector<16xi32> to vector<16x1xi32>
        %gather3A_1109 = vector.shape_cast %broadcast_in_dim3A_1108 : vector<16x1xi32> to vector<16xi32>
        %gather3A_1110 = tpu.dynamic_gather %min3A_1097[%gather3A_1109] in [0] : vector<16xi32>, vector<16xi32> -> vector<16xi32>
        %min3A_1111 = arith.minsi %min3A_1097, %gather3A_1110 : vector<16xi32>
        %add3A_1112 = arith.addi %min3A_1021, %and3A_7 : vector<16xi32>
        %lt3A_1113 = arith.constant 0 : i32
        %lt3A_1114 = vector.broadcast %lt3A_1113 : i32 to vector<16xi32>
        %lt3A_1115 = arith.cmpi slt, %add3A_1112, %lt3A_1114 : vector<16xi32>
        %add3A_1116 = arith.constant 16 : i32
        %add3A_1117 = vector.broadcast %add3A_1116 : i32 to vector<16xi32>
        %add3A_1118 = arith.addi %add3A_1112, %add3A_1117 : vector<16xi32>
        %select_n3A_1119 = arith.select %lt3A_1115, %add3A_1118, %add3A_1112 : vector<16xi1>, vector<16xi32>
        %broadcast_in_dim3A_1120 = vector.shape_cast %select_n3A_1119 : vector<16xi32> to vector<16x1xi32>
        %gather3A_1121 = vector.shape_cast %broadcast_in_dim3A_1120 : vector<16x1xi32> to vector<16xi32>
        %gather3A_1122 = tpu.dynamic_gather %get3A_925[%gather3A_1121] in [0] : vector<16xf32>, vector<16xi32> -> vector<16xf32>
        %add3A_1123 = arith.addi %min3A_1111, %and3A_7 : vector<16xi32>
        %lt3A_1124 = arith.constant 0 : i32
        %lt3A_1125 = vector.broadcast %lt3A_1124 : i32 to vector<16xi32>
        %lt3A_1126 = arith.cmpi slt, %add3A_1123, %lt3A_1125 : vector<16xi32>
        %add3A_1127 = arith.constant 16 : i32
        %add3A_1128 = vector.broadcast %add3A_1127 : i32 to vector<16xi32>
        %add3A_1129 = arith.addi %add3A_1123, %add3A_1128 : vector<16xi32>
        %select_n3A_1130 = arith.select %lt3A_1126, %add3A_1129, %add3A_1123 : vector<16xi1>, vector<16xi32>
        %broadcast_in_dim3A_1131 = vector.shape_cast %select_n3A_1130 : vector<16xi32> to vector<16x1xi32>
        %gather3A_1132 = vector.shape_cast %broadcast_in_dim3A_1131 : vector<16x1xi32> to vector<16xi32>
        %gather3A_1133 = tpu.dynamic_gather %get3A_925[%gather3A_1132] in [0] : vector<16xf32>, vector<16xi32> -> vector<16xf32>
        %sub3A_1134 = arith.subf %gather3A_1133, %gather3A_1122 : vector<16xf32>
        %exp3A_1135 = math.exp %sub3A_1134 : vector<16xf32>
        %add3A_1136 = arith.constant 1.000000e+00 : f32
        %add3A_1137 = vector.broadcast %add3A_1136 : f32 to vector<16xf32>
        %add3A_1138 = arith.addf %add3A_1137, %exp3A_1135 : vector<16xf32>
        %div3A_1139 = arith.constant 1.000000e+00 : f32
        %div3A_1140 = vector.broadcast %div3A_1139 : f32 to vector<16xf32>
        %div3A_1141 = arith.divf %div3A_1140, %add3A_1138 : vector<16xf32>
        %mul3A_1142 = arith.mulf %add3A_1138, %div3A_1141 : vector<16xf32>
        %sub3A_1143 = arith.constant 2.000000e+00 : f32
        %sub3A_1144 = vector.broadcast %sub3A_1143 : f32 to vector<16xf32>
        %sub3A_1145 = arith.subf %sub3A_1144, %mul3A_1142 : vector<16xf32>
        %mul3A_1146 = arith.mulf %div3A_1141, %sub3A_1145 : vector<16xf32>
        %mul3A_1147 = arith.mulf %exp3A_1135, %mul3A_1146 : vector<16xf32>
        %eq3A_1148 = arith.cmpi eq, %and3A_4, %min3A_1021 : vector<16xi32>
        %eq3A_1149 = arith.cmpi eq, %and3A_4, %min3A_1111 : vector<16xi32>
        %jit3A_1150 = arith.constant 0.000000e+00 : f32
        %broadcast_in_dim3A_1151 = vector.broadcast %jit3A_1150 : f32 to vector<16xf32>
        %select_n3A_1152 = arith.select %eq3A_1149, %mul3A_1147, %broadcast_in_dim3A_1151 : vector<16xi1>, vector<16xf32>
        %select_n3A_1153 = arith.select %eq3A_1148, %mul3A_1146, %select_n3A_1152 : vector<16xi1>, vector<16xf32>
        %mul3A_1154 = arith.constant 16 : i32
        %mul3A_1155 = arith.muli %add3A_920, %mul3A_1154 : i32
        %swap3A_1156 = arith.index_cast %mul3A_1155 : i32 to index
        %swap3A_1157 = tpu.vector_load %arg6[%swap3A_1156] {strides = array<i32>} : memref<2048xf32, #tpu.memory_space<vmem>>, vector<16xf32>,
        %swap3A_1158 = vector.shape_cast %swap3A_1157 : vector<16xf32> to vector<16xf32>
        %swap3A_1159 = vector.shape_cast %select_n3A_1153 : vector<16xf32> to vector<16xf32>
        tpu.vector_store %arg6[%swap3A_1156], %swap3A_1159 {strides = array<i32>} : memref<2048xf32, #tpu.memory_space<vmem>>, vector<16xf32>,
        %eq3A_1160 = arith.constant 12 : i32
        %eq3A_1161 = vector.broadcast %eq3A_1160 : i32 to vector<16xi32>
        %eq3A_1162 = arith.cmpi eq, %iota3A, %eq3A_1161 : vector<16xi32>
        %lt3A_1163 = arith.constant 0 : i32
        %lt3A_1164 = vector.broadcast %lt3A_1163 : i32 to vector<16xi32>
        %lt3A_1165 = arith.cmpi slt, %broadcast_in_dim3A_10, %lt3A_1164 : vector<16xi32>
        %add3A_1166 = arith.constant 16 : i32
        %add3A_1167 = vector.broadcast %add3A_1166 : i32 to vector<16xi32>
        %add3A_1168 = arith.addi %broadcast_in_dim3A_10, %add3A_1167 : vector<16xi32>
        %select_n3A_1169 = arith.select %lt3A_1165, %add3A_1168, %broadcast_in_dim3A_10 : vector<16xi1>, vector<16xi32>
        %broadcast_in_dim3A_1170 = vector.shape_cast %select_n3A_1169 : vector<16xi32> to vector<16x1xi32>
        %gather3A_1171 = vector.shape_cast %broadcast_in_dim3A_1170 : vector<16x1xi32> to vector<16xi32>
        %gather3A_1172 = tpu.dynamic_gather %min3A_1021[%gather3A_1171] in [0] : vector<16xi32>, vector<16xi32> -> vector<16xi32>
        %select_n3A_1173 = arith.select %eq3A_1162, %gather3A_1172, %select_n3A_916 : vector<16xi1>, vector<16xi32>
        %eq3A_1174 = arith.constant 13 : i32
        %eq3A_1175 = vector.broadcast %eq3A_1174 : i32 to vector<16xi32>
        %eq3A_1176 = arith.cmpi eq, %iota3A, %eq3A_1175 : vector<16xi32>
        %lt3A_1177 = arith.constant 0 : i32
        %lt3A_1178 = vector.broadcast %lt3A_1177 : i32 to vector<16xi32>
        %lt3A_1179 = arith.cmpi slt, %broadcast_in_dim3A_10, %lt3A_1178 : vector<16xi32>
        %add3A_1180 = arith.constant 16 : i32
        %add3A_1181 = vector.broadcast %add3A_1180 : i32 to vector<16xi32>
        %add3A_1182 = arith.addi %broadcast_in_dim3A_10, %add3A_1181 : vector<16xi32>
        %select_n3A_1183 = arith.select %lt3A_1179, %add3A_1182, %broadcast_in_dim3A_10 : vector<16xi1>, vector<16xi32>
        %broadcast_in_dim3A_1184 = vector.shape_cast %select_n3A_1183 : vector<16xi32> to vector<16x1xi32>
        %gather3A_1185 = vector.shape_cast %broadcast_in_dim3A_1184 : vector<16x1xi32> to vector<16xi32>
        %gather3A_1186 = tpu.dynamic_gather %min3A_1111[%gather3A_1185] in [0] : vector<16xi32>, vector<16xi32> -> vector<16xi32>
        %select_n3A_1187 = arith.select %eq3A_1176, %gather3A_1186, %select_n3A_1173 : vector<16xi1>, vector<16xi32>
        %eq3A_1188 = arith.constant 14 : i32
        %eq3A_1189 = vector.broadcast %eq3A_1188 : i32 to vector<16xi32>
        %eq3A_1190 = arith.cmpi eq, %iota3A, %eq3A_1189 : vector<16xi32>
        %lt3A_1191 = arith.constant 0 : i32
        %lt3A_1192 = vector.broadcast %lt3A_1191 : i32 to vector<16xi32>
        %lt3A_1193 = arith.cmpi slt, %broadcast_in_dim3A_12, %lt3A_1192 : vector<16xi32>
        %add3A_1194 = arith.constant 16 : i32
        %add3A_1195 = vector.broadcast %add3A_1194 : i32 to vector<16xi32>
        %add3A_1196 = arith.addi %broadcast_in_dim3A_12, %add3A_1195 : vector<16xi32>
        %select_n3A_1197 = arith.select %lt3A_1193, %add3A_1196, %broadcast_in_dim3A_12 : vector<16xi1>, vector<16xi32>
        %broadcast_in_dim3A_1198 = vector.shape_cast %select_n3A_1197 : vector<16xi32> to vector<16x1xi32>
        %gather3A_1199 = vector.shape_cast %broadcast_in_dim3A_1198 : vector<16x1xi32> to vector<16xi32>
        %gather3A_1200 = tpu.dynamic_gather %min3A_1021[%gather3A_1199] in [0] : vector<16xi32>, vector<16xi32> -> vector<16xi32>
        %select_n3A_1201 = arith.select %eq3A_1190, %gather3A_1200, %select_n3A_1187 : vector<16xi1>, vector<16xi32>
        %eq3A_1202 = arith.constant 15 : i32
        %eq3A_1203 = vector.broadcast %eq3A_1202 : i32 to vector<16xi32>
        %eq3A_1204 = arith.cmpi eq, %iota3A, %eq3A_1203 : vector<16xi32>
        %lt3A_1205 = arith.constant 0 : i32
        %lt3A_1206 = vector.broadcast %lt3A_1205 : i32 to vector<16xi32>
        %lt3A_1207 = arith.cmpi slt, %broadcast_in_dim3A_12, %lt3A_1206 : vector<16xi32>
        %add3A_1208 = arith.constant 16 : i32
        %add3A_1209 = vector.broadcast %add3A_1208 : i32 to vector<16xi32>
        %add3A_1210 = arith.addi %broadcast_in_dim3A_12, %add3A_1209 : vector<16xi32>
        %select_n3A_1211 = arith.select %lt3A_1207, %add3A_1210, %broadcast_in_dim3A_12 : vector<16xi1>, vector<16xi32>
        %broadcast_in_dim3A_1212 = vector.shape_cast %select_n3A_1211 : vector<16xi32> to vector<16x1xi32>
        %gather3A_1213 = vector.shape_cast %broadcast_in_dim3A_1212 : vector<16x1xi32> to vector<16xi32>
        %gather3A_1214 = tpu.dynamic_gather %min3A_1111[%gather3A_1213] in [0] : vector<16xi32>, vector<16xi32> -> vector<16xi32>
        %select_n3A_1215 = arith.select %eq3A_1204, %gather3A_1214, %select_n3A_1201 : vector<16xi1>, vector<16xi32>
        %mul3A_1216 = arith.constant 16 : i32
        %mul3A_1217 = arith.muli %scan3A_34, %mul3A_1216 : i32
        %swap3A_1218 = arith.index_cast %mul3A_1217 : i32 to index
        %swap3A_1219 = tpu.vector_load %arg7[%swap3A_1218] {strides = array<i32>} : memref<512xi32, #tpu.memory_space<vmem>>, vector<16xi32>,
        %swap3A_1220 = vector.shape_cast %swap3A_1219 : vector<16xi32> to vector<16xi32>
        %swap3A_1221 = vector.shape_cast %select_n3A_1215 : vector<16xi32> to vector<16xi32>
        tpu.vector_store %arg7[%swap3A_1218], %swap3A_1221 {strides = array<i32>} : memref<512xi32, #tpu.memory_space<vmem>>, vector<16xi32>,
      }
      %scan3A_29 = arith.constant 32 : i32
      %mul3A_30 = arith.constant 8 : i32
      %mul3A_31 = arith.muli %add3A_21, %mul3A_30 : i32
      "tpu.region"() ({
        %run_scoped3A = tpu.sem_alloc : memref<!tpu.dma_semaphore, #tpu.memory_space<semaphore_mem>>
        %dma_start3A = tpu.memref_slice %arg3[%mul3A_31] : memref<262144xf32, #tpu.memory_space<hbm>> -> memref<2048xf32, #tpu.memory_space<hbm>>
        %dma_start3A_34 = tpu.memref_slice %arg3[%mul3A_31] : memref<262144xf32, #tpu.memory_space<hbm>> -> memref<2048xf32, #tpu.memory_space<hbm>>
        tpu.enqueue_dma source(%arg6 : memref<2048xf32, #tpu.memory_space<vmem>>) target(%dma_start3A_34 : memref<2048xf32, #tpu.memory_space<hbm>>) target_semaphore(%run_scoped3A : memref<!tpu.dma_semaphore, #tpu.memory_space<semaphore_mem>>)
        %dma_wait3A = tpu.memref_slice %arg3[%mul3A_31] : memref<262144xf32, #tpu.memory_space<hbm>> -> memref<2048xf32, #tpu.memory_space<hbm>>
        %dma_wait3A_35 = tpu.memref_slice %arg3[%mul3A_31] : memref<262144xf32, #tpu.memory_space<hbm>> -> memref<2048xf32, #tpu.memory_space<hbm>>
        tpu.wait_dma2 semaphore(%run_scoped3A : memref<!tpu.dma_semaphore, #tpu.memory_space<semaphore_mem>>) src(%arg6 : memref<2048xf32, #tpu.memory_space<vmem>>) dst(%dma_wait3A_35 : memref<2048xf32, #tpu.memory_space<hbm>>)
        tpu.yield
      }) : () -> ()
      %mul3A_32 = arith.constant 2 : i32
      %mul3A_33 = arith.muli %add3A_21, %mul3A_32 : i32
      "tpu.region"() ({
        %run_scoped3A = tpu.sem_alloc : memref<!tpu.dma_semaphore, #tpu.memory_space<semaphore_mem>>
        %dma_start3A = tpu.memref_slice %arg4[%mul3A_33] : memref<65536xi32, #tpu.memory_space<hbm>> -> memref<512xi32, #tpu.memory_space<hbm>>
        %dma_start3A_34 = tpu.memref_slice %arg4[%mul3A_33] : memref<65536xi32, #tpu.memory_space<hbm>> -> memref<512xi32, #tpu.memory_space<hbm>>
        tpu.enqueue_dma source(%arg7 : memref<512xi32, #tpu.memory_space<vmem>>) target(%dma_start3A_34 : memref<512xi32, #tpu.memory_space<hbm>>) target_semaphore(%run_scoped3A : memref<!tpu.dma_semaphore, #tpu.memory_space<semaphore_mem>>)
        %dma_wait3A = tpu.memref_slice %arg4[%mul3A_33] : memref<65536xi32, #tpu.memory_space<hbm>> -> memref<512xi32, #tpu.memory_space<hbm>>
        %dma_wait3A_35 = tpu.memref_slice %arg4[%mul3A_33] : memref<65536xi32, #tpu.memory_space<hbm>> -> memref<512xi32, #tpu.memory_space<hbm>>
        tpu.wait_dma2 semaphore(%run_scoped3A : memref<!tpu.dma_semaphore, #tpu.memory_space<semaphore_mem>>) src(%arg7 : memref<512xi32, #tpu.memory_space<vmem>>) dst(%dma_wait3A_35 : memref<512xi32, #tpu.memory_space<hbm>>)
        tpu.yield
      }) : () -> ()
    }
    %scan3A_17 = arith.constant 4 : i32
    return
  }
}

module attributes {stable_mosaic.version = 14 : i64} {
  func.func @_tc_logits_body(%arg0: i32, %arg1: memref<4096x768xf32, #tpu.memory_space<vmem>>, %arg2: memref<768x8xf32, #tpu.memory_space<vmem>>, %arg3: memref<1x8xf32, #tpu.memory_space<vmem>>, %arg4: memref<4096x8xf32, #tpu.memory_space<vmem>>) attributes {dimension_semantics = [#tpu.dimension_semantics<parallel>], iteration_bounds = array<i64: 8>, scalar_prefetch = 0 : i64, scratch_operands = 0 : i64, tpu.core_type = #tpu.core_type<tc>, window_params = [{transform_indices = @transform_0, window_bounds = array<i64: 4096, 768>}, {pipeline_mode = #tpu.pipeline_mode<synchronous>, transform_indices = @transform_1, window_bounds = array<i64: 768, 8>}, {pipeline_mode = #tpu.pipeline_mode<synchronous>, transform_indices = @transform_2, window_bounds = array<i64: 1, 8>}, {transform_indices = @transform_3, window_bounds = array<i64: 4096, 8>}]} {
    %get3A = arith.constant 0 : index
    %get3A_0 = arith.constant 0 : index
    %get3A_1 = vector.load %arg1[%get3A, %get3A_0] : memref<4096x768xf32, #tpu.memory_space<vmem>>, vector<4096x768xf32>
    %get3A_2 = arith.constant 0 : index
    %get3A_3 = arith.constant 0 : index
    %get3A_4 = vector.load %arg2[%get3A_2, %get3A_3] : memref<768x8xf32, #tpu.memory_space<vmem>>, vector<768x8xf32>
    %dot_general3A = arith.constant dense<0.000000e+00> : vector<4096x8xf32>
    %dot_general3A_5 = tpu.matmul %get3A_1, %get3A_4, %dot_general3A {dimension_numbers = #tpu.dot_dimension_numbers<[1], [0], [0], [1], [0, 0, 1, 1], [], []>, transpose_lhs_hint = false} : vector<4096x768xf32>, vector<768x8xf32>, vector<4096x8xf32> -> vector<4096x8xf32>
    %get3A_6 = arith.constant 0 : index
    %get3A_7 = arith.constant 0 : index
    %get3A_8 = vector.load %arg3[%get3A_6, %get3A_7] : memref<1x8xf32, #tpu.memory_space<vmem>>, vector<1x8xf32>
    %add3A = vector.broadcast %get3A_8 : vector<1x8xf32> to vector<4096x8xf32>
    %add3A_9 = arith.addf %dot_general3A_5, %add3A : vector<4096x8xf32>
    %swap3A = arith.constant 0 : index
    %swap3A_10 = arith.constant 0 : index
    %swap3A_11 = vector.load %arg4[%swap3A, %swap3A_10] : memref<4096x8xf32, #tpu.memory_space<vmem>>, vector<4096x8xf32>
    tpu.vector_store %arg4[%swap3A, %swap3A_10], %add3A_9 {strides = array<i32>} : memref<4096x8xf32, #tpu.memory_space<vmem>>, vector<4096x8xf32>,
    return
  }
  func.func @transform_0(%arg0: i32) -> (i32, i32) {
    %c0_i32 = arith.constant 0 : i32
    %c0_i32_0 = arith.constant 0 : i32
    return %arg0, %c0_i32 : i32, i32
  }
  func.func @transform_1(%arg0: i32) -> (i32, i32) {
    %c0_i32 = arith.constant 0 : i32
    %c0_i32_0 = arith.constant 0 : i32
    %c0_i32_1 = arith.constant 0 : i32
    return %c0_i32, %c0_i32_0 : i32, i32
  }
  func.func @transform_2(%arg0: i32) -> (i32, i32) {
    %c0_i32 = arith.constant 0 : i32
    %c0_i32_0 = arith.constant 0 : i32
    %c0_i32_1 = arith.constant 0 : i32
    return %c0_i32, %c0_i32_0 : i32, i32
  }
  func.func @transform_3(%arg0: i32) -> (i32, i32) {
    %c0_i32 = arith.constant 0 : i32
    %c0_i32_0 = arith.constant 0 : i32
    return %arg0, %c0_i32 : i32, i32
  }
}

</mosaic_0001>

<sc_bundles>
// kernel: kernel.4.cloned.1.call-start
scs
__scs_entry_jumppad:
0x0: {  	(pc) =	sbr.rel $0x88, $3  }
0x1: {  	(tag) =	ssettag $0x0;
	lr =	simm.s32 $0x1  }
0x2: {  	[smem:$0x3F9E] =	sst lr;
	_ =	strace $0xD0000000  }
0x3: {  	_ = 	snop  }
0x4: {  	_ = 	snop  }
0x5: {  	_ = 	snop  }
0x6: {  	_ = 	snop  }
0x7: {  	_ = 	snop  }
__scs_overlays_trampoline_lowered:
0x8: {  	[smem:$0x3FAD] =	sst s0  }
0x9: {  	[smem:$0x3FAE] =	sst s1  }
0xa: {  	[smem:$0x3FAF] =	sst s2  }
0xb: {  	[smem:$0x3FB0] =	sst s3  }
0xc: {  	[smem:$0x3FB1] =	sst s4  }
0xd: {  	[smem:$0x3FB2] =	sst s5  }
0xe: {  	[smem:$0x3FB3] =	sst s6  }
0xf: {  	[smem:$0x3FB4] =	sst s7  }
0x10: {  	[smem:$0x3FB5] =	sst s8  }
0x11: {  	[smem:$0x3FB6] =	sst s9;
	s0 =	simm.s32 @!p0 $0x0  }
0x12: {  	s1 =	sld [smem:$0x3F9C];
	s0 =	simm.s32 @p0 $0x1  }
0x13: {  	[smem:$0x3FB7] =	sst s0;
	s0 =	simm.s32 @!p1 $0x0  }
0x14: {  	s2 =	sld [smem:$0x3F9B];
	s0 =	simm.s32 @p1 $0x1  }
0x15: {  	[smem:$0x3FB8] =	sst s0;
	s0 =	simm.s32 @!p2 $0x0  }
0x16: {  	s3 =	sld [smem:$0x3FDB];
	s0 =	simm.s32 @p2 $0x1  }
0x17: {  	s4 =	simm.s32 $0x1BF5;
	[smem:$0x3FBA] =	sst s0  }
0x18: {  	s0 =	sld [smem:$0x3F9D];
	_ =	swait.ge [sflag:s4], $0x0  }
0x19: {  	s7 =	sld [smem:$0x3F9E]  }
0x1a: {  	s8 =	sadd.s32 $0xFFFFE003, lr  }
0x1b: {  	s9 =	sadd.s32 $0xFFFFFEF7, lr;
	s5 =	simm.s32 $0xFFFFFFFF;
	p2 =	slt.u32 s8, $0xFFFFF086  }
0x1c: {  	p1 =	slt.u32 s9, $0xF7A;
	s5 =	simm.s32 @!p2 $0x0  }
0x1d: {  	s5 =	simm.s32 @p1 $0x1;
	p0 =	seq.s32 s7, s2  }
0x1e: {  	s7 =	smul.u32 @!p0 $0xF7A, s2;
	p2 =	seq.s32 @!p0 s5, $0x0  }
0x1f: {  	s9 =	smul.u32 $0xF7A, s1;
	s8 =	simm.s32 @!p0 $0x1BF5;
	p2 =	por !p2, p0  }
0x20: {  	[sflag:s8] =	ssyncset.s32 @!p0 $0xFFFFF086;
	s6 =	sadd.s32 @!p0 s3, s7;
	s7 =	simm.s32 @!p0 $0x108  }
0x21: {  	s3 =	sadd.s32 s3, s9;
	s6 =	sadd.s32 @!p0 $0x88, s6;
	s7 =	simm.s32 @p2 $0x1082  }
0x22: {  	[simem:s7], [sflag:s8] =	dma.local @!p0 [hbm:s6], $0xF7A  }
0x23: {  	s9 =	sor.u32 $0xD0000000, s2;
	s6 =	simm.s32 $0x108;
	_ =	swait.ge @!p0 [sflag:s8], $0x0  }
0x24: {  	s3 =	sadd.s32 $0x88, s3;
	s6 =	simm.s32 @!p1 $0x1082;
	[sflag:s4] =	ssyncset.s32 $0xFFFFF086  }
0x25: {  	[simem:s6], [sflag:s4] =	dma.local [hbm:s3], $0xF7A  }
0x26: {  	[smem:$0x3F9E] =	sst s1;
	(tag) =	ssettag s2;
	_ =	strace s9  }
0x27: {  	s1 =	sld [smem:$0x3FAE]  }
0x28: {  	s2 =	sld [smem:$0x3FAF]  }
0x29: {  	s4 =	sld [smem:$0x3FB1]  }
0x2a: {  	p0 =	seq.s32 s5, $0x0;
	s5 =	sld [smem:$0x3FB2]  }
0x2b: {  	s6 =	sld [smem:$0x3FB3]  }
0x2c: {  	s7 =	sld [smem:$0x3FB4]  }
0x2d: {  	s3 =	simm.s32 $0x108;
	s8 =	sld [smem:$0x3FB5]  }
0x2e: {  	s3 =	simm.s32 @!p0 $0x1082;
	s9 =	sld [smem:$0x3FB6]  }
0x2f: {  	lr =	sadd.s32 s0, s3;
	s0 =	sld [smem:$0x3FAD]  }
0x30: {  	s3 =	sld [smem:$0x3FB0]  }
0x31: {  	[smem:$0x3FB9] =	sst s10  }
0x32: {  	s10 =	sld [smem:$0x3FB7];
	_ =	sdelay $0x3  }
0x33: {  	p0 =	seq.s32 s10, $0x1;
	s10 =	sld [smem:$0x3FB9];
	_ =	sdelay $0x3  }
0x34: {  	[smem:$0x3FB9] =	sst s10  }
0x35: {  	s10 =	sld [smem:$0x3FB8];
	_ =	sdelay $0x3  }
0x36: {  	p1 =	seq.s32 s10, $0x1;
	s10 =	sld [smem:$0x3FB9];
	_ =	sdelay $0x3  }
0x37: {  	[smem:$0x3FB9] =	sst s10  }
0x38: {  	s10 =	sld [smem:$0x3FBA]  }
0x39: {  	_ = 	snop;
	(pc) =	sbr.ind lr, $3  }
0x3a: {  	_ = 	snop  }
0x3b: {  	_ = 	snop  }
0x3c: {  	p2 =	seq.s32 s10, $0x1;
	s10 =	sld [smem:$0x3FB9]  }
0x3d: {  	_ =	shalt  }
0x3e: {  	_ =	shalt  }
0x3f: {  	_ =	shalt  }
0x40: {  	_ =	shalt  }
0x41: {  	_ =	shalt  }
0x42: {  	_ =	shalt  }
0x43: {  	_ =	shalt  }
0x44: {  	_ =	shalt  }
0x45: {  	_ =	shalt  }
0x46: {  	_ =	shalt  }
0x47: {  	_ =	shalt  }
0x48: {  	_ =	shalt  }
0x49: {  	_ =	shalt  }
0x4a: {  	_ =	shalt  }
0x4b: {  	_ =	shalt  }
0x4c: {  	_ =	shalt  }
0x4d: {  	_ =	shalt  }
0x4e: {  	_ =	shalt  }
0x4f: {  	_ =	shalt  }
0x50: {  	_ =	shalt  }
0x51: {  	_ =	shalt  }
0x52: {  	_ =	shalt  }
0x53: {  	_ =	shalt  }
0x54: {  	_ =	shalt  }
0x55: {  	_ =	shalt  }
0x56: {  	_ =	shalt  }
0x57: {  	_ =	shalt  }
0x58: {  	_ =	shalt  }
0x59: {  	_ =	shalt  }
0x5a: {  	_ =	shalt  }
0x5b: {  	_ =	shalt  }
0x5c: {  	_ =	shalt  }
0x5d: {  	_ =	shalt  }
0x5e: {  	_ =	shalt  }
0x5f: {  	_ =	shalt  }
0x60: {  	_ =	shalt  }
0x61: {  	_ =	shalt  }
0x62: {  	_ =	shalt  }
0x63: {  	_ =	shalt  }
0x64: {  	_ =	shalt  }
0x65: {  	_ =	shalt  }
0x66: {  	_ =	shalt  }
0x67: {  	_ =	shalt  }
0x68: {  	_ =	shalt  }
0x69: {  	_ =	shalt  }
0x6a: {  	_ =	shalt  }
0x6b: {  	_ =	shalt  }
0x6c: {  	_ =	shalt  }
0x6d: {  	_ =	shalt  }
0x6e: {  	_ =	shalt  }
0x6f: {  	_ =	shalt  }
0x70: {  	_ =	shalt  }
0x71: {  	_ =	shalt  }
0x72: {  	_ =	shalt  }
0x73: {  	_ =	shalt  }
0x74: {  	_ =	shalt  }
0x75: {  	_ =	shalt  }
0x76: {  	_ =	shalt  }
0x77: {  	_ =	shalt  }
0x78: {  	_ =	shalt  }
0x79: {  	_ =	shalt  }
0x7a: {  	_ =	shalt  }
0x7b: {  	_ =	shalt  }
0x7c: {  	_ =	shalt  }
0x7d: {  	_ =	shalt  }
0x7e: {  	_ =	shalt  }
0x7f: {  	_ =	shalt  }
0x80: {  	_ =	shalt  }
0x81: {  	_ =	shalt  }
0x82: {  	_ =	shalt  }
0x83: {  	_ =	shalt  }
0x84: {  	_ =	shalt  }
0x85: {  	_ =	shalt  }
0x86: {  	_ =	shalt  }
0x87: {  	_ =	shalt  }
.Lfunc_end0:
.L_simem_size_0:
called_computation_lowered:
.L_overlay_start_0:
0x88: {  	s2 =	sld [smem:$0x3FD9]  }
0x89: {  	s3 =	sld [smem:$0x3FFE];
	_ =	sdelay $0x1  }
0x8a: {  	s1 =	srdreg.scid  }
0x8b: {  	s0 =	sand.u32 $0x1, s1  }
0x8c: {  	s14 =	sshll.u32 s0, $0xA;
	s2 =	sadd.s32 s3, s2  }
0x8d: {  	s2 =	sadd.s32 s2, s14  }
0x8e: {  	[smem:$0x3FC5] =	sst s2  }
0x8f: {  	_ = 	snop  }
0x90: {  	s2 =	sld [smem:$0x3FD0];
	_ =	sdelay $0x2  }
0x91: {  	s15 =	simm.s32 $0xA;
	s4 =	simm.s32 $0x10  }
0x92: {  	[smem:s4], [sflag:s15] =	dma.local [hbm:s2], $0x1  }
0x93: {  	_ =	swait.eq [sflag:s15], $0x1  }
0x94: {  	[sflag:s15] =	ssyncset.done $0x0  }
0x95: {  	s16 =	sld [smem:$0x10];
	[sflag:s15] =	ssyncadd.s32 $0xFFFFFFFF  }
0x96: {  	s17 =	sld [smem:$0x11];
	(tm) =	ssettm $0x1  }
0x97: {  	s18 =	sld [smem:$0x3FFB];
	_ =	sdelay $0x3  }
0x98: {  	_ =	strace s18  }
0x99: {  	s4 =	sld [smem:$0x3FFC];
	_ =	sdelay $0x3  }
0x9a: {  	_ =	strace s4  }
0x9b: {  	s4 =	sld [smem:$0x3FFD];
	_ =	sdelay $0x3  }
0x9c: {  	_ =	strace s4  }
0x9d: {  	_ =	strace $0x8FFFFFFF  }
0x9e: {  	s19 =	sld [smem:$0x3FDB];
	_ =	sdelay $0x1  }
0x9f: {  	s5 =	simm.s32 $_scs_section_size  }
0xa0: {  	s6 =	simm.s32 $_size__tile_overlayer_lowered;
	s7 =	simm.s32 $_tile_overlayer_lowered  }
0xa1: {  	s22 =	simm.s32 $0x1BFF;
	s21 =	sshll.u32 s7, $0x1;
	s4 =	sadd.s32 s5, s19  }
0xa2: {  	s8 =	simm.s32 $0x0;
	s20 =	sshll.u32 s6, $0x1;
	s6 =	sadd.s32 s21, s4  }
0xa3: {  	[timem:s8], [sflag:s22] =	dma.local [hbm:s6], s20  }
0xa4: {  	_ =	swait.ge [sflag:s22], s20  }
0xa5: {  	s5 =	ssub.s32 $0x0, s20;
	[sflag:s22] =	ssyncset.done $0x0  }
0xa6: {  	[sflag:s22] =	ssyncadd.s32 s5;
	_ =	sdelay $0x1  }
0xa7: {  	s23 =	simm.s32 $0x1B8B  }
0xa8: {  	_ =	swait.ge [sflag:s23], $0x1  }
0xa9: {  	[sflag:s23] =	ssyncset.done $0x0  }
0xaa: {  	s25 =	simm.s32 $0x1B8E;
	s24 =	sld [smem:$0x3FFE];
	[sflag:s23] =	ssyncadd.s32 $0xFFFFFFFF  }
0xab: {  	s26 =	simm.s32 $execute0_lowered;
	[smem:$0x3FD2] =	sst s25  }
0xac: {  	s6 =	sshll.u32 s26, $0x1;
	_ =	strace $0x80000046;
	[dreg:$0x1] =	wrdreg $0xFFFFFFFF  }
0xad: {  	s28 =	simm.s32 $_size_execute0_lowered;
	s4 =	sadd.s32 s4, s6;
	[dreg:$0x0] =	wrdreg $0x0  }
0xae: {  	s6 =	sshll.u32 s28, $0x1;
	[dreg:$0x2] =	wrdreg s4  }
0xaf: {  	[dreg:$0x3] =	wrdreg s6  }
0xb0: {  	[dreg:$0x4] =	wrdreg $0xC0  }
0xb1: {  	_ =	task [dreg:s8], $0x5FFFF  }
0xb2: {  	[dreg:$0x1] =	wrdreg $0xFFFFFFFF  }
0xb3: {  	[dreg:$0x0] =	wrdreg $0x60  }
0xb4: {  	[dreg:$0x2] =	wrdreg s16  }
0xb5: {  	[dreg:$0x3] =	wrdreg s24  }
0xb6: {  	[dreg:$0x4] =	wrdreg s17  }
0xb7: {  	[dreg:$0x5] =	wrdreg $0x9  }
0xb8: {  	_ =	task.clear_ibuf [dreg:s8], $0x6FFFF;
	_ =	strace $0x90000046  }
0xb9: {  	s29 =	simm.s32 $0x9;
	_ =	strace $0x80000048  }
0xba: {  	_ =	swait.ge [sflag:s29], $0x1  }
0xbb: {  	[sflag:s29] =	ssyncadd.s32 $0xFFFFFFFF  }
0xbc: {  	_ =	strace $0x90000048  }
0xbd: {  	_ =	sfence  }
0xbe: {  	s30 =	sld [smem:$0x0];
	_ =	sdelay $0x2  }
0xbf: {  	s31 =	sshll.u32 s1, $0xD;
	s1 =	sshrl.u32 s1, $0x2  }
0xc0: {  	s3 =	sand.u32 $0x4000, s31;
	s1 =	sadd.s32 s1, s30  }
0xc1: {  	s0 =	sor.u32 s3, s0;
	s1 =	sshll.u32 s1, $0x11  }
0xc2: {  	s0 =	sor.u32 s1, s0  }
0xc3: {  	s0 =	sadd.s32 $0x8F2B, s0  }
0xc4: {  	[sflag:s0] =	ssyncadd.remote.s32 $0x1  }
0xc5: {  	_ =	sfence.sel $0xFFFF  }
0xc6: {  	[dreg:$0x0] =	wrdreg $0xFFFFFFFF;
	(pc) =	sbr.abs _section_cstart, $3  }
0xc7: {  	[dreg:$0x1] =	wrdreg $0xFFFFFFFF  }
0xc8: {  	_ =	task.clear_ibuf [dreg:s8], $0x2FFFF;
	_ =	strace $0x9FFFFFFF  }
0xc9: {  	(tm) =	ssettm $0x7FFFFFFF  }
tec
execute0_lowered:
.L_overlay_start_1:
0x0: {  	(tag) =	ssettag $0x1  }
0x1: {  	v0 =	vimm.s32 $0xBA98FEDC  }
0x2: {  	v1 =	vimm.s32 $0x32107654;
	v2 =	vimm.s32 $0xDCFE98BA;
	v3 =	vimm.s32 $0x54761032  }
0x3: {  	v4 =	vimm.s32 $0xEFCDAB89;
	v5 =	vimm.s32 $0x67452301;
	vm5 =	vmmov $0x1  }
0x4: {  	v6 =	vimm.s32 $0x8;
	vm6 =	vmmov $0x3;
	vm7 =	vmmov $0x7  }
0x5: {  	vm8 =	vmmov $0xf;
	vm9 =	vmmov $0x1f;
	vm10 =	vmmov $0x3f  }
0x6: {  	vm11 =	vmmov $0x7f;
	vm12 =	vmmov $0xff;
	vm13 =	vmmov $0x1ff  }
0x7: {  	s0 =	rddreg [dreg:$0x0];
	vm14 =	vmmov $0x3ff;
	vm4 =	vmmov $0x7ff;
	vm0 =	vmmov $0xfff  }
0x8: {  	s4 =	rddreg [dreg:$0x1];
	v7 =	vimm.s32 $0x0;
	v0 =	vunpack.c.l.s4.s8 v0;
	v1 =	vunpack.c.l.s4.s8 v1  }
0x9: {  	s2 =	rddreg [dreg:$0x2];
	s3 =	simm.s32 $0x0;
	v2 =	vunpack.c.l.s4.s8 v2;
	v3 =	vunpack.c.l.s4.s8 v3;
	v4 =	vunpack.c.l.s4.s8 v4  }
0xa: {  	v5 =	vunpack.c.l.s4.s8 v5;
	[smem:$0x7FF] =	sst s3;
	v7 =	vsel vm0, $0xFFFFFFFF, v7;
	vm0 =	vmmov $0x1fff  }
0xb: {  	s1 =	rddreg [dreg:$0x3];
	_ =	strace $0x80000047;
	[tilespmem:$0x1FFB0] =	vst v7;
	v7 =	vimm.s32 $0x0;
	v0 =	vunpack.c.0.s8.s32 v0;
	v1 =	vunpack.c.0.s8.s32 v1  }
0xc: {  	v2 =	vunpack.c.0.s8.s32 v2;
	v3 =	vunpack.c.0.s8.s32 v3;
	v7 =	vsel vm0, $0xFFFFFFFF, v7  }
0xd: {  	v4 =	vunpack.c.0.s8.s32 v4;
	vm0 =	vmmov $0x3fff;
	[tilespmem:$0x1FFC0] =	vst v7;
	v7 =	vimm.s32 $0x0  }
0xe: {  	s5 =	srdreg.scid;
	v5 =	vunpack.c.0.s8.s32 v5;
	v1 =	vcombine.low v1, v0;
	v7 =	vsel vm0, $0xFFFFFFFF, v7  }
0xf: {  	s9 =	simm.s32 $0x800;
	s6 =	sand.u32 $0x1, s5;
	v2 =	vcombine.low v3, v2;
	vm0 =	vmmov $0x7fff;
	[tilespmem:$0x1FFD0] =	vst v7;
	v7 =	vimm.s32 $0x0  }
0x10: {  	s10 =	simm.s32 $0x1000;
	s11 =	simm.s32 $0x0;
	s7 =	ssub.s32 $0x2, s6;
	v3 =	vcombine.low v5, v4;
	v4 =	vlaneseq.u32;
	v7 =	vsel vm0, $0xFFFFFFFF, v7  }
0x11: {  	s5 =	sadd.s32 $0xC00, s4;
	s4 =	stileid.u32;
	s8 =	sshrl.u32 s7, $0x1;
	v0 =	vimm.s32 $0x0;
	v5 =	vshrl.u32 v4, $0x3;
	[tilespmem:$0x1FFE0] =	vst v7;
	v7 =	vimm.s32 $0x0  }
0x12: {  	s6 =	sshll.u32 s6, $0xE;
	s31 =	sshll.u32 s4, $0xA;
	s7 =	ssub.s32 s7, s8;
	v4 =	vand.u32 $0x7, v4;
	v1 =	vand.u32 $0xF, v1;
	v7 =	vsel vm4, $0xFFFFFFFF, v7  }
0x13: {  	s6 =	sor.u32 s31, s6;
	s8 =	simm.s32 $0x1;
	s7 =	smax.u32 s7, $0x1;
	v2 =	vand.u32 $0xF, v2;
	v3 =	vand.u32 $0xF, v3;
	v5 =	vmul.u32 $0x8, v5;
	[tilespmem:$0x1FFF0] =	vst v7  }
.LBB2_1:
0x14: {  	s12 =	simm.s32 $0x0  }
.LBB2_2:
0x15: {  	s13 =	sshll.u32 s12, $0x8  }
0x16: {  	s13 =	sadd.s32 s6, s13  }
0x17: {  	s15 =	simm.s32 $0x0;
	s14 =	sadd.s32 s0, s13  }
0x18: {  	[tilespmem:s15], [sflag:$0x1] =	stream.linear.gather [hbm4b:s14+s15], $0x800, $0x38;
	[tilespmem:$0x1200] =	vst v63  }
0x19: {  	_ =	swait.ge [sflag:s8], $0x800  }
0x1a: {  	[sflag:s8] =	ssyncset.done $0x0  }
0x1b: {  	s14 =	simm.s32 $0x0;
	[sflag:s8] =	ssyncadd.s32 $0xFFFFF800  }
0x1c: {  	v8 =	vld [tilespmem:s14+$0x20]  }
0x1d: {  	v14 =	vld [tilespmem:s14+$0x0]  }
0x1e: {  	v9 =	vld [tilespmem:s14+$0x30]  }
0x1f: {  	v7 =	vld [tilespmem:s14+$0x10];
	_ =	sdelay $0x1  }
0x20: {  	v10 =	vsub.s32 $0x80000000, v8  }
0x21: {  	vm0 =	vlt.s32 v8, $0x0;
	v11 =	vsub.s32 $0x80000000, v14;
	vm1 =	vlt.s32 v14, $0x0  }
0x22: {  	vm2 =	vlt.s32 v9, $0x0;
	v12 =	vsub.s32 $0x80000000, v9;
	v11 =	vsel vm1, v11, v14  }
0x23: {  	v13 =	vsub.s32 $0x80000000, v7;
	v12 =	vsel vm2, v12, v9;
	v15 =	vperm.xlane v11, v1  }
0x24: {  	vm1 =	vlt.s32 v7, $0x0;
	v10 =	vsel vm0, v10, v8;
	v16 =	vperm.xlane v12, v1  }
0x25: {  	v13 =	vsel vm1, v13, v7;
	v17 =	vperm.xlane v10, v1;
	vm0 =	vgt.s32 v11, v15  }
0x26: {  	v18 =	vperm.xlane v13, v1;
	v15 =	vsel vm0, v11, v15;
	vm0 =	vgt.s32 v12, v16  }
0x27: {  	vm1 =	vgt.s32 v10, v17;
	v19 =	vperm.xlane v15, v2;
	v16 =	vsel vm0, v12, v16  }
0x28: {  	v17 =	vsel vm1, v10, v17;
	vm0 =	vgt.s32 v13, v18;
	v20 =	vperm.xlane v16, v2  }
0x29: {  	v21 =	vperm.xlane v17, v2;
	v18 =	vsel vm0, v13, v18;
	vm1 =	vgt.s32 v15, v19  }
0x2a: {  	v15 =	vsel vm1, v15, v19;
	v19 =	vperm.xlane v18, v2;
	vm0 =	vgt.s32 v16, v20  }
0x2b: {  	vm1 =	vgt.s32 v17, v21;
	v22 =	vperm.xlane v15, v3;
	v16 =	vsel vm0, v16, v20  }
0x2c: {  	v47 =	vimm.s32 $0x0;
	v17 =	vsel vm1, v17, v21;
	v20 =	vperm.xlane v16, v3  }
0x2d: {  	vm0 =	vgt.s32 v18, v19;
	v21 =	vperm.xlane v17, v3;
	vm1 =	vgt.s32 v15, v22  }
0x2e: {  	v18 =	vsel vm0, v18, v19;
	v15 =	vsel vm1, v15, v22;
	vm0 =	vgt.s32 v16, v20  }
0x2f: {  	v19 =	vperm.xlane v18, v3;
	vm1 =	vgt.s32 v17, v21;
	v16 =	vsel vm0, v16, v20  }
0x30: {  	vm0 =	veq.s32 v11, v15;
	v15 =	vsel vm1, v17, v21;
	vm1 =	veq.s32 v12, v16  }
0x31: {  	vm2 =	vgt.s32 v18, v19;
	vm15 =	veq.s32 v10, v15;
	v15 =	vnsel vm1, $0x63, v4  }
0x32: {  	v16 =	vsel vm2, v18, v19;
	v17 =	vnsel vm15, $0x63, v4;
	v18 =	vperm.xlane v15, v1  }
0x33: {  	v19 =	vnsel vm0, $0x63, v4;
	vm1 =	veq.s32 v13, v16;
	v16 =	vperm.xlane v17, v1  }
0x34: {  	v44 =	vperm.xlane v19, v1;
	v20 =	vnsel vm1, $0x63, v4;
	vm0 =	vlt.s32 v15, v18  }
0x35: {  	v45 =	vperm.xlane v20, v1;
	vm1 =	vlt.s32 v17, v16;
	v15 =	vsel vm0, v15, v18  }
0x36: {  	v16 =	vsel vm1, v17, v16;
	vm0 =	vlt.s32 v19, v44;
	v17 =	vperm.xlane v15, v2  }
0x37: {  	vm1 =	vlt.s32 v20, v45;
	v18 =	vperm.xlane v16, v2;
	v19 =	vsel vm0, v19, v44  }
0x38: {  	v20 =	vsel vm1, v20, v45;
	v21 =	vperm.xlane v19, v2;
	vm0 =	vlt.s32 v15, v17  }
0x39: {  	v22 =	vperm.xlane v20, v2;
	vm1 =	vlt.s32 v16, v18;
	v15 =	vsel vm0, v15, v17  }
0x3a: {  	v16 =	vsel vm1, v16, v18;
	vm0 =	vlt.s32 v19, v21;
	v17 =	vperm.xlane v15, v3  }
0x3b: {  	vm1 =	vlt.s32 v20, v22;
	v18 =	vperm.xlane v16, v3;
	v19 =	vsel vm0, v19, v21  }
0x3c: {  	v20 =	vsel vm1, v20, v22;
	v21 =	vperm.xlane v19, v3;
	vm0 =	vlt.s32 v15, v17  }
0x3d: {  	v22 =	vperm.xlane v20, v3;
	v15 =	vsel vm0, v15, v17;
	vm0 =	vlt.s32 v16, v18  }
0x3e: {  	vm1 =	vlt.s32 v19, v21;
	vm15 =	veq.s32 v15, v4;
	v16 =	vsel vm0, v16, v18  }
0x3f: {  	v17 =	vsel vm1, v19, v21;
	vm2 =	vlt.s32 v20, v22;
	v56 =	vadd.s32 v5, v15  }
0x40: {  	v12 =	vsel vm15, $0x80000000, v12;
	vm1 =	veq.s32 v17, v4;
	vm0 =	veq.s32 v16, v4  }
0x41: {  	v19 =	vsel vm2, v20, v22;
	v57 =	vperm.xlane v17, v6;
	v18 =	vperm.xlane v12, v1  }
0x42: {  	v11 =	vsel vm1, $0x80000000, v11;
	v10 =	vsel vm0, $0x80000000, v10;
	vm2 =	veq.s32 v19, v4  }
0x43: {  	v58 =	vadd.s32 v5, v19;
	v20 =	vperm.xlane v11, v1;
	vm3 =	vgt.s32 v12, v18  }
0x44: {  	v46 =	vperm.xlane v10, v1;
	v22 =	vsel vm2, $0xFFFFFFFF, v47;
	v18 =	vsel vm3, v12, v18  }
0x45: {  	v13 =	vsel vm2, $0x80000000, v13;
	vm3 =	vgt.s32 v11, v20;
	v48 =	vperm.xlane v18, v2  }
0x46: {  	v23 =	vperm.xlane v13, v1;
	vm2 =	vgt.s32 v10, v46;
	v20 =	vsel vm3, v11, v20  }
0x47: {  	v21 =	vsel vm2, v10, v46;
	v24 =	vperm.xlane v20, v2;
	vm2 =	vgt.s32 v18, v48  }
0x48: {  	v25 =	vperm.xlane v21, v2;
	v18 =	vsel vm2, v18, v48;
	vm2 =	vgt.s32 v13, v23  }
0x49: {  	[tilespmem:$0x1FFA0] =	vst v22;
	vm3 =	vgt.s32 v20, v24;
	v22 =	vperm.xlane v18, v3;
	v23 =	vsel vm2, v13, v23  }
0x4a: {  	vm2 =	vgt.s32 v21, v25;
	v20 =	vsel vm3, v20, v24;
	v26 =	vperm.xlane v23, v2  }
0x4b: {  	v21 =	vsel vm2, v21, v25;
	v24 =	vperm.xlane v20, v3;
	vm2 =	vgt.s32 v18, v22  }
0x4c: {  	v25 =	vperm.xlane v21, v3;
	v18 =	vsel vm2, v18, v22;
	vm3 =	vgt.s32 v23, v26  }
0x4d: {  	vm2 =	veq.s32 v12, v18;
	v12 =	vsel vm3, v23, v26;
	vm3 =	vgt.s32 v20, v24  }
0x4e: {  	v18 =	vnsel vm2, $0x63, v4;
	v20 =	vsel vm3, v20, v24;
	v49 =	vperm.xlane v12, v3  }
0x4f: {  	vm2 =	vgt.s32 v21, v25;
	v50 =	vperm.xlane v18, v1;
	vm3 =	veq.s32 v11, v20  }
0x50: {  	v11 =	vsel vm2, v21, v25;
	v20 =	vnsel vm3, $0x63, v4;
	vm3 =	vgt.s32 v12, v49  }
0x51: {  	vm2 =	veq.s32 v10, v11;
	v10 =	vsel vm3, v12, v49;
	vm3 =	vlt.s32 v18, v50  }
0x52: {  	v11 =	vperm.xlane v20, v1;
	v12 =	vnsel vm2, $0x63, v4;
	vm2 =	veq.s32 v13, v10  }
0x53: {  	v10 =	vsel vm3, v18, v50;
	v13 =	vperm.xlane v12, v1;
	v18 =	vnsel vm2, $0x63, v4  }
0x54: {  	v23 =	vperm.xlane v7, v58;
	vm2 =	vlt.s32 v20, v11;
	v52 =	vperm.xlane v18, v1  }
0x55: {  	v51 =	vperm.xlane v10, v2;
	v11 =	vsel vm2, v20, v11;
	vm3 =	vlt.s32 v12, v13  }
0x56: {  	v12 =	vsel vm3, v12, v13;
	v13 =	vperm.xlane v11, v2;
	vm3 =	vlt.s32 v18, v52  }
0x57: {  	vm2 =	vlt.s32 v10, v51;
	v20 =	vperm.xlane v12, v2;
	v18 =	vsel vm3, v18, v52  }
0x58: {  	v10 =	vsel vm2, v10, v51;
	vm2 =	vlt.s32 v11, v13;
	v53 =	vperm.xlane v18, v2  }
0x59: {  	v54 =	vperm.xlane v10, v3;
	vm3 =	vlt.s32 v12, v20;
	v13 =	vsel vm2, v11, v13  }
0x5a: {  	v12 =	vsel vm3, v12, v20;
	v20 =	vperm.xlane v13, v3;
	vm2 =	vlt.s32 v18, v53  }
0x5b: {  	v55 =	vperm.xlane v12, v3;
	v18 =	vsel vm2, v18, v53;
	vm2 =	vlt.s32 v10, v54  }
0x5c: {  	vm3 =	vlt.s32 v13, v20;
	v21 =	vperm.xlane v18, v3;
	v11 =	vsel vm2, v10, v54  }
0x5d: {  	vm2 =	vlt.s32 v12, v55;
	v13 =	vsel vm3, v13, v20;
	v20 =	vadd.s32 v5, v17  }
0x5e: {  	v12 =	vsel vm2, v12, v55;
	v59 =	vadd.s32 v5, v13;
	v20 =	vperm.xlane v14, v20  }
0x5f: {  	v61 =	vadd.s32 v5, v11;
	vm3 =	vlt.s32 v18, v21;
	v14 =	vperm.xlane v14, v59  }
0x60: {  	v10 =	vsel vm3, v18, v21;
	v18 =	vadd.s32 v5, v16;
	v21 =	vperm.xlane v9, v56  }
0x61: {  	v60 =	vadd.s32 v5, v12;
	v9 =	vperm.xlane v9, v61;
	v18 =	vperm.xlane v8, v18  }
0x62: {  	v8 =	vperm.xlane v8, v60;
	v14 =	vsub.f32 v14, v20;
	v20 =	vadd.s32 v5, v10  }
0x63: {  	v17 =	vperm.xlane v17, v0;
	v7 =	vperm.xlane v7, v20  }
0x64: {  	v9 =	vsub.f32 v9, v21;
	v20 =	vperm.xlane v13, v6;
	v8 =	vsub.f32 v8, v18  }
0x65: {  	v18 =	vperm.xlane v13, v0;
	v14 =	vmul.f32 $1.442695020e+00, v14;
	v7 =	vsub.f32 v7, v23  }
0x66: {  	v9 =	vmul.f32 $1.442695020e+00, v9;
	v8 =	vmul.f32 $1.442695020e+00, v8  }
0x67: {  	(erf) = vpow2.f32 v14;
	v14 =	vsel vm5, v17, v18;
	v7 =	vmul.f32 $1.442695020e+00, v7  }
0x68: {  	v14 =	vsel vm6, v14, v57;
	(erf) = vpow2.f32 v8;
	v8 =	vperm.xlane v19, v0  }
0x69: {  	v14 =	vsel vm7, v14, v20;
	(erf) = vpow2.f32 v9;
	v9 =	vperm.xlane v10, v0  }
0x6a: {  	(erf) = vpow2.f32 v7;
	v7 =	vsel vm8, v14, v8;
	v8 =	vperm.xlane v19, v6  }
0x6b: {  	v7 =	vsel vm9, v7, v9;
	v9 =	vperm.xlane v10, v6  }
0x6c: {  	v19 =	vld [tilespmem:$0x1FFB0];
	v7 =	vsel vm10, v7, v8;
	v8 =	vperm.xlane v16, v0  }
0x6d: {  	v63 =	vld [tilespmem:$0x1FFC0];
	v7 =	vsel vm11, v7, v9;
	v9 =	vperm.xlane v12, v0  }
0x6e: {  	v7 =	vsel vm12, v7, v8;
	v8 =	vperm.xlane v16, v6  }
0x6f: {  	v7 =	vsel vm13, v7, v9;
	v9 =	vperm.xlane v12, v6  }
0x70: {  	v14 =	vperm.xlane v15, v0;
	v7 =	vsel vm14, v7, v8  }
0x71: {  	v20 =	vperm.xlane v11, v0;
	vm3 =	vnez.u8 v19;
	v7 =	vsel vm4, v7, v9  }
0x72: {  	v7 =	vsel vm3, v7, v14;
	vm3 =	vnez.u8 v63  }
0x73: {  	v16 =	vpop (erf);
	v7 =	vsel vm3, v7, v20;
	v20 =	vld [tilespmem:$0x1FFD0]  }
0x74: {  	v17 =	vadd.f32 $1.000000000e+00, v16;
	v8 =	vpop (erf)  }
0x75: {  	v18 =	vadd.f32 $1.000000000e+00, v8;
	v9 =	vpop (erf)  }
0x76: {  	(erf) = vrcp.f32 v17;
	v19 =	vadd.f32 $1.000000000e+00, v9;
	v14 =	vpop (erf)  }
0x77: {  	v62 =	vperm.xlane v15, v6;
	v15 =	vadd.f32 $1.000000000e+00, v14;
	(erf) = vrcp.f32 v18  }
0x78: {  	(erf) = vrcp.f32 v19;
	vm3 =	vnez.u8 v20  }
0x79: {  	s16 =	simm.s32 $0x1000;
	s17 =	simm.s32 $0x100;
	s15 =	simm.s32 $0x1000;
	(erf) = vrcp.f32 v15;
	v7 =	vsel vm3, v7, v62  }
.LBB2_3:
0x7a: {  	_ =	sdelay $0x4  }
0x7b: {  	v20 =	vpop (erf)  }
0x7c: {  	v17 =	vmul.f32 v20, v17;
	v21 =	vpop (erf)  }
0x7d: {  	v18 =	vmul.f32 v21, v18;
	v22 =	vpop (erf)  }
0x7e: {  	v17 =	vsub.f32 $2.000000000e+00, v17;
	v19 =	vmul.f32 v22, v19;
	v23 =	vpop (erf)  }
0x7f: {  	v15 =	vmul.f32 v23, v15;
	v18 =	vsub.f32 $2.000000000e+00, v18  }
0x80: {  	v17 =	vmul.f32 v17, v20;
	v19 =	vsub.f32 $2.000000000e+00, v19  }
0x81: {  	v15 =	vsub.f32 $2.000000000e+00, v15;
	v18 =	vmul.f32 v18, v21  }
0x82: {  	v16 =	vmul.f32 v17, v16;
	v19 =	vmul.f32 v19, v22  }
0x83: {  	vm4 =	veq.s32 v13, v4;
	v13 =	vmul.f32 v15, v23;
	v8 =	vmul.f32 v18, v8  }
0x84: {  	v15 =	vnsel vm4, $0x0, v16;
	vm4 =	veq.s32 v12, v4;
	v9 =	vmul.f32 v19, v9  }
0x85: {  	vm3 =	veq.s32 v11, v4;
	v8 =	vnsel vm4, $0x0, v8  }
0x86: {  	v8 =	vsel vm0, v18, v8;
	v9 =	vnsel vm3, $0x0, v9  }
0x87: {  	[tilespmem:s14+$0x820] =	vst v8;
	v8 =	vsel vm15, v19, v9;
	v9 =	vperm.xlane v11, v6;
	v11 =	vld [tilespmem:$0x1FFA0]  }
0x88: {  	[tilespmem:s14+$0x830] =	vst v8;
	v8 =	vld [tilespmem:$0x1FFE0];
	_ =	sdelay $0x1  }
0x89: {  	v14 =	vmul.f32 v13, v14  }
0x8a: {  	vm2 =	veq.s32 v10, v4  }
0x8b: {  	v12 =	vsel vm1, v17, v15;
	v10 =	vnsel vm2, $0x0, v14;
	vm0 =	vnez.u8 v11  }
0x8c: {  	s18 =	smov.u32 s17;
	[tilespmem:s14+$0x800] =	vst v12;
	v10 =	vsel vm0, v13, v10;
	vm0 =	vnez.u8 v8  }
0x8d: {  	s18 =	sshra.s32 s18, $0x2;
	[tilespmem:s14+$0x810] =	vst v10;
	v7 =	vsel vm0, v7, v9  }
0x8e: {  	s14 =	smov.u32 s18;
	[tilespmem:s15+$0x0] =	vst v7  }
0x8f: {  	v10 =	vld [tilespmem:s14+$0x0]  }
0x90: {  	v8 =	vld [tilespmem:s14+$0x20]  }
0x91: {  	v9 =	vld [tilespmem:s14+$0x30]  }
0x92: {  	v7 =	vld [tilespmem:s14+$0x10]  }
0x93: {  	v40 =	vimm.s32 $0x0;
	vm15 =	vmmov vm14;
	vm14 =	vmmov vm13  }
0x94: {  	vm13 =	vmmov vm12;
	vm12 =	vmmov vm11;
	vm11 =	vmmov vm10  }
0x95: {  	vm10 =	vmmov vm9;
	vm9 =	vmmov vm8;
	v12 =	vsub.s32 $0x80000000, v8  }
0x96: {  	vm0 =	vlt.s32 v8, $0x0;
	v11 =	vsub.s32 $0x80000000, v10;
	vm2 =	vlt.s32 v10, $0x0  }
0x97: {  	vm1 =	vlt.s32 v9, $0x0;
	v13 =	vsub.s32 $0x80000000, v7;
	v11 =	vsel vm2, v11, v10  }
0x98: {  	v14 =	vsub.s32 $0x80000000, v9;
	v12 =	vsel vm0, v12, v8;
	v15 =	vperm.xlane v11, v1  }
0x99: {  	vm2 =	vlt.s32 v7, $0x0;
	v17 =	vsel vm1, v14, v9;
	v14 =	vperm.xlane v12, v1  }
0x9a: {  	v13 =	vsel vm2, v13, v7;
	v16 =	vperm.xlane v17, v1;
	vm0 =	vgt.s32 v11, v15  }
0x9b: {  	v18 =	vperm.xlane v13, v1;
	v15 =	vsel vm0, v11, v15;
	vm0 =	vgt.s32 v12, v14  }
0x9c: {  	v19 =	vperm.xlane v15, v2;
	v14 =	vsel vm0, v12, v14;
	vm0 =	vgt.s32 v17, v16  }
0x9d: {  	vm1 =	vgt.s32 v13, v18;
	v20 =	vperm.xlane v14, v2;
	v16 =	vsel vm0, v17, v16  }
0x9e: {  	v18 =	vsel vm1, v13, v18;
	vm0 =	vgt.s32 v15, v19;
	v29 =	vperm.xlane v16, v2  }
0x9f: {  	v15 =	vsel vm0, v15, v19;
	v19 =	vperm.xlane v18, v2;
	vm0 =	vgt.s32 v14, v20  }
0xa0: {  	v30 =	vperm.xlane v15, v3;
	v14 =	vsel vm0, v14, v20;
	vm0 =	vgt.s32 v16, v29  }
0xa1: {  	vm1 =	vgt.s32 v18, v19;
	v20 =	vperm.xlane v14, v3;
	v16 =	vsel vm0, v16, v29  }
0xa2: {  	vm0 =	vgt.s32 v15, v30;
	v18 =	vsel vm1, v18, v19;
	v19 =	vperm.xlane v16, v3  }
0xa3: {  	v15 =	vsel vm0, v15, v30;
	v31 =	vperm.xlane v18, v3;
	vm0 =	vgt.s32 v14, v20  }
0xa4: {  	vm1 =	veq.s32 v11, v15;
	v14 =	vsel vm0, v14, v20;
	vm0 =	vgt.s32 v16, v19  }
0xa5: {  	vm2 =	vgt.s32 v18, v31;
	vm3 =	veq.s32 v12, v14;
	v14 =	vsel vm0, v16, v19  }
0xa6: {  	v15 =	vsel vm2, v18, v31;
	v16 =	vnsel vm3, $0x63, v4;
	vm0 =	veq.s32 v17, v14  }
0xa7: {  	vm2 =	veq.s32 v13, v15;
	v14 =	vperm.xlane v16, v1;
	v15 =	vnsel vm0, $0x63, v4  }
0xa8: {  	vm8 =	vmmov vm7;
	v19 =	vnsel vm2, $0x63, v4;
	v20 =	vperm.xlane v15, v1  }
0xa9: {  	v18 =	vnsel vm1, $0x63, v4;
	v33 =	vperm.xlane v19, v1;
	vm0 =	vlt.s32 v16, v14  }
0xaa: {  	v32 =	vperm.xlane v18, v1;
	v14 =	vsel vm0, v16, v14;
	vm0 =	vlt.s32 v15, v20  }
0xab: {  	vm1 =	vlt.s32 v19, v33;
	v16 =	vperm.xlane v14, v2;
	v15 =	vsel vm0, v15, v20  }
0xac: {  	vm0 =	vlt.s32 v18, v32;
	v19 =	vsel vm1, v19, v33;
	v20 =	vperm.xlane v15, v2  }
0xad: {  	v18 =	vsel vm0, v18, v32;
	v34 =	vperm.xlane v19, v2;
	vm0 =	vlt.s32 v14, v16  }
0xae: {  	vm7 =	vmmov vm6;
	v35 =	vperm.xlane v18, v2;
	v14 =	vsel vm0, v14, v16  }
0xaf: {  	vm0 =	vlt.s32 v15, v20;
	vm1 =	vlt.s32 v19, v34;
	v16 =	vperm.xlane v14, v3  }
0xb0: {  	v20 =	vsel vm0, v15, v20;
	vm0 =	vlt.s32 v18, v35;
	v19 =	vsel vm1, v19, v34  }
0xb1: {  	v36 =	vperm.xlane v20, v3;
	v18 =	vsel vm0, v18, v35;
	v37 =	vperm.xlane v19, v3  }
0xb2: {  	vm6 =	vmmov vm5;
	vm0 =	vlt.s32 v14, v16;
	v38 =	vperm.xlane v18, v3  }
0xb3: {  	v15 =	vsel vm0, v14, v16;
	vm1 =	vlt.s32 v20, v36;
	vm2 =	vlt.s32 v19, v37  }
0xb4: {  	vm0 =	veq.s32 v15, v4;
	v14 =	vsel vm1, v20, v36;
	vm1 =	vlt.s32 v18, v38  }
0xb5: {  	v20 =	vadd.s32 v5, v15;
	v16 =	vsel vm2, v19, v37;
	v12 =	vsel vm0, $0x80000000, v12  }
0xb6: {  	vm2 =	vmmov vm0;
	vm0 =	veq.s32 v14, v4;
	v18 =	vsel vm1, v18, v38  }
0xb7: {  	v27 =	vadd.s32 v5, v14;
	v19 =	vperm.xlane v12, v1;
	v17 =	vsel vm0, $0x80000000, v17  }
0xb8: {  	v20 =	vperm.xlane v8, v20;
	vm1 =	veq.s32 v18, v4;
	v39 =	vperm.xlane v17, v1  }
0xb9: {  	vm4 =	veq.s32 v16, v4;
	v24 =	vadd.s32 v5, v18;
	vm3 =	vgt.s32 v12, v19  }
0xba: {  	v28 =	vperm.xlane v18, v6;
	v19 =	vsel vm3, v12, v19;
	vm3 =	vgt.s32 v17, v39  }
0xbb: {  	v11 =	vsel vm1, $0x80000000, v11;
	v42 =	vperm.xlane v19, v2;
	v21 =	vsel vm3, v17, v39  }
0xbc: {  	v13 =	vsel vm4, $0x80000000, v13;
	v26 =	vperm.xlane v11, v1;
	v25 =	vperm.xlane v21, v2  }
0xbd: {  	v22 =	vsel vm4, $0xFFFFFFFF, v40;
	v41 =	vperm.xlane v13, v1;
	vm3 =	vgt.s32 v19, v42  }
0xbe: {  	vm4 =	vgt.s32 v11, v26;
	v19 =	vsel vm3, v19, v42;
	vm3 =	vgt.s32 v21, v25  }
0xbf: {  	v43 =	vsel vm4, v11, v26;
	v23 =	vperm.xlane v19, v3;
	v21 =	vsel vm3, v21, v25  }
0xc0: {  	v29 =	vperm.xlane v43, v2;
	vm3 =	vgt.s32 v13, v41;
	v44 =	vperm.xlane v21, v3  }
0xc1: {  	v45 =	vperm.xlane v9, v27;
	[tilespmem:$0x1FFA0] =	vst v22;
	v22 =	vsel vm3, v13, v41;
	vm3 =	vgt.s32 v19, v23  }
0xc2: {  	vm4 =	vgt.s32 v43, v29;
	v19 =	vsel vm3, v19, v23;
	vm3 =	vgt.s32 v21, v44  }
0xc3: {  	v25 =	vsel vm4, v43, v29;
	v46 =	vperm.xlane v22, v2;
	v21 =	vsel vm3, v21, v44  }
0xc4: {  	v47 =	vadd.s32 v5, v16;
	vm3 =	veq.s32 v17, v21;
	v17 =	vperm.xlane v25, v3  }
0xc5: {  	vm4 =	vgt.s32 v22, v46;
	v21 =	vnsel vm3, $0x63, v4;
	vm3 =	veq.s32 v12, v19  }
0xc6: {  	v19 =	vsel vm4, v22, v46;
	v12 =	vperm.xlane v21, v1;
	vm5 =	vgt.s32 v25, v17  }
0xc7: {  	v18 =	vperm.xlane v18, v0;
	v49 =	vperm.xlane v19, v3;
	v17 =	vsel vm5, v25, v17  }
0xc8: {  	v48 =	vperm.xlane v7, v47;
	vm4 =	vlt.s32 v21, v12;
	vm5 =	veq.s32 v11, v17  }
0xc9: {  	v11 =	vsel vm4, v21, v12;
	v12 =	vnsel vm5, $0x63, v4;
	vm4 =	vgt.s32 v19, v49  }
0xca: {  	v24 =	vperm.xlane v10, v24;
	v50 =	vperm.xlane v12, v1;
	v19 =	vsel vm4, v19, v49  }
0xcb: {  	v51 =	vnsel vm3, $0x63, v4;
	v21 =	vperm.xlane v11, v2;
	vm3 =	veq.s32 v13, v19  }
0xcc: {  	v13 =	vperm.xlane v51, v1;
	vm4 =	vlt.s32 v12, v50;
	v19 =	vnsel vm3, $0x63, v4  }
0xcd: {  	v17 =	vperm.xlane v16, v0;
	v12 =	vsel vm4, v12, v50;
	v52 =	vperm.xlane v19, v1  }
0xce: {  	vm3 =	vlt.s32 v11, v21;
	vm4 =	vlt.s32 v51, v13;
	v53 =	vperm.xlane v12, v2  }
0xcf: {  	v11 =	vsel vm3, v11, v21;
	v13 =	vsel vm4, v51, v13;
	vm3 =	vlt.s32 v19, v52  }
0xd0: {  	v54 =	vperm.xlane v13, v2;
	vm4 =	vlt.s32 v12, v53;
	v19 =	vsel vm3, v19, v52  }
0xd1: {  	v55 =	vperm.xlane v11, v3;
	v12 =	vsel vm4, v12, v53;
	v26 =	vperm.xlane v19, v2  }
0xd2: {  	v16 =	vperm.xlane v16, v6;
	vm3 =	vlt.s32 v13, v54;
	v27 =	vperm.xlane v12, v3  }
0xd3: {  	v21 =	vsel vm3, v13, v54;
	vm3 =	vlt.s32 v11, v55;
	vm4 =	vlt.s32 v19, v26  }
0xd4: {  	v56 =	vperm.xlane v21, v3;
	v11 =	vsel vm3, v11, v55;
	vm5 =	vlt.s32 v12, v27  }
0xd5: {  	v19 =	vsel vm4, v19, v26;
	v59 =	vadd.s32 v5, v11;
	v13 =	vsel vm5, v12, v27  }
0xd6: {  	vm5 =	vmmov vm6;
	vm6 =	vmmov vm7;
	vm7 =	vmmov vm8  }
0xd7: {  	vm8 =	vmmov vm9;
	vm9 =	vmmov vm10;
	vm10 =	vmmov vm11  }
0xd8: {  	vm11 =	vmmov vm12;
	v57 =	vperm.xlane v19, v3;
	vm3 =	vlt.s32 v21, v56  }
0xd9: {  	v9 =	vperm.xlane v9, v59;
	v58 =	vadd.s32 v5, v13;
	v12 =	vsel vm3, v21, v56  }
0xda: {  	v26 =	vperm.xlane v10, v58;
	vm3 =	vlt.s32 v19, v57;
	v60 =	vadd.s32 v5, v12  }
0xdb: {  	v9 =	vsub.f32 v9, v45;
	v10 =	vsel vm3, v19, v57;
	v8 =	vperm.xlane v8, v60  }
0xdc: {  	v61 =	vperm.xlane v13, v0;
	v19 =	vsub.f32 v26, v24;
	v62 =	vadd.s32 v5, v10  }
0xdd: {  	v9 =	vmul.f32 $1.442695020e+00, v9;
	v7 =	vperm.xlane v7, v62;
	v8 =	vsub.f32 v8, v20  }
0xde: {  	v18 =	vsel vm5, v18, v61;
	v20 =	vperm.xlane v13, v6;
	v19 =	vmul.f32 $1.442695020e+00, v19  }
0xdf: {  	v18 =	vsel vm6, v18, v28;
	v7 =	vsub.f32 v7, v48;
	v8 =	vmul.f32 $1.442695020e+00, v8  }
0xe0: {  	v63 =	vperm.xlane v10, v0;
	v18 =	vsel vm7, v18, v20;
	(erf) = vpow2.f32 v19  }
0xe1: {  	v7 =	vmul.f32 $1.442695020e+00, v7;
	(erf) = vpow2.f32 v8;
	v8 =	vsel vm8, v18, v17  }
0xe2: {  	(erf) = vpow2.f32 v9;
	v8 =	vsel vm9, v8, v63;
	v9 =	vperm.xlane v10, v6  }
0xe3: {  	(erf) = vpow2.f32 v7;
	v7 =	vsel vm10, v8, v16;
	v8 =	vperm.xlane v15, v0  }
0xe4: {  	vm12 =	vmmov vm13;
	v7 =	vsel vm11, v7, v9  }
0xe5: {  	v7 =	vsel vm12, v7, v8;
	v8 =	vperm.xlane v15, v6;
	v15 =	vld [tilespmem:$0x1FFF0];
	_ =	sdelay $0x4  }
0xe6: {  	vm3 =	vnez.u8 v15;
	v15 =	vld [tilespmem:$0x1FFB0]  }
0xe7: {  	v9 =	vperm.xlane v12, v0  }
0xe8: {  	vm13 =	vmmov vm14  }
0xe9: {  	vm14 =	vmmov vm15;
	v7 =	vsel vm13, v7, v9;
	v9 =	vperm.xlane v12, v6  }
0xea: {  	v7 =	vsel vm14, v7, v8  }
0xeb: {  	v7 =	vsel vm3, v7, v9;
	vm3 =	vnez.u8 v15;
	v15 =	vld [tilespmem:$0x1FFC0];
	_ =	sdelay $0x2  }
0xec: {  	v18 =	vperm.xlane v14, v0;
	_ =	sdelay $0x1  }
0xed: {  	v7 =	vsel vm3, v7, v18;
	vm3 =	vnez.u8 v15;
	v15 =	vld [tilespmem:$0x1FFD0]  }
0xee: {  	v16 =	vpop (erf)  }
0xef: {  	p0 =	sne.s32 s17, $0x1F00;
	v19 =	vperm.xlane v11, v0;
	v17 =	vadd.f32 $1.000000000e+00, v16;
	v8 =	vpop (erf)  }
.Ltmp0:
0xf0: {  	v20 =	vperm.xlane v14, v6;
	v9 =	vpop (erf);
	v18 =	vadd.f32 $1.000000000e+00, v8;
	(pc) =	sbr.rel @p0 .LBB2_3-.Ltmp0, $4  }
0xf1: {  	(erf) = vrcp.f32 v17;
	v14 =	vpop (erf);
	v7 =	vsel vm3, v7, v19;
	v19 =	vadd.f32 $1.000000000e+00, v9  }
0xf2: {  	(erf) = vrcp.f32 v18;
	vm3 =	vnez.u8 v15;
	v15 =	vadd.f32 $1.000000000e+00, v14  }
0xf3: {  	s16 =	sadd.s32 $0x10, s16;
	vm15 =	vmmov vm0;
	(erf) = vrcp.f32 v19  }
0xf4: {  	s17 =	sadd.s32 $0x100, s17;
	s15 =	smov.u32 s16;
	vm0 =	vmmov vm2;
	v7 =	vsel vm3, v7, v20;
	(erf) = vrcp.f32 v15  }
0xf5: {  	_ =	sdelay $0x4  }
0xf6: {  	v20 =	vpop (erf)  }
0xf7: {  	v17 =	vmul.f32 v20, v17;
	v21 =	vpop (erf)  }
0xf8: {  	v18 =	vmul.f32 v21, v18;
	v22 =	vpop (erf)  }
0xf9: {  	v17 =	vsub.f32 $2.000000000e+00, v17;
	v19 =	vmul.f32 v22, v19  }
0xfa: {  	v18 =	vsub.f32 $2.000000000e+00, v18  }
0xfb: {  	v17 =	vmul.f32 v17, v20;
	v19 =	vsub.f32 $2.000000000e+00, v19  }
0xfc: {  	v18 =	vmul.f32 v18, v21  }
0xfd: {  	v23 =	vpop (erf);
	v16 =	vmul.f32 v17, v16;
	v19 =	vmul.f32 v19, v22  }
0xfe: {  	vm4 =	veq.s32 v13, v4;
	v15 =	vmul.f32 v23, v15;
	v8 =	vmul.f32 v18, v8  }
0xff: {  	v60 =	vnsel vm4, $0x0, v16;
	vm4 =	veq.s32 v12, v4;
	v9 =	vmul.f32 v19, v9  }
0x100: {  	vm3 =	veq.s32 v11, v4;
	v8 =	vnsel vm4, $0x0, v8  }
0x101: {  	v15 =	vsub.f32 $2.000000000e+00, v15;
	v8 =	vsel vm0, v18, v8;
	v9 =	vnsel vm3, $0x0, v9  }
0x102: {  	v63 =	vld [tilespmem:$0x1FFA0];
	[tilespmem:s14+$0x820] =	vst v8;
	v8 =	vsel vm15, v19, v9  }
0x103: {  	v59 =	vmul.f32 v15, v23;
	[tilespmem:s14+$0x830] =	vst v8;
	v8 =	vld [tilespmem:$0x1FFE0];
	_ =	sdelay $0x1  }
0x104: {  	v14 =	vmul.f32 v59, v14  }
0x105: {  	vm2 =	veq.s32 v10, v4;
	v62 =	vperm.xlane v11, v6  }
0x106: {  	v61 =	vsel vm1, v17, v60;
	vm0 =	vnez.u8 v63;
	v10 =	vnsel vm2, $0x0, v14  }
0x107: {  	[tilespmem:s14+$0x800] =	vst v61;
	v10 =	vsel vm0, v59, v10;
	vm0 =	vnez.u8 v8  }
0x108: {  	[tilespmem:s14+$0x810] =	vst v10;
	v7 =	vsel vm0, v7, v62  }
0x109: {  	s30 =	sadd.s32 s5, s13;
	[tilespmem:s15+$0x0] =	vst v7  }
0x10a: {  	[hbm4b:s30+s3] =	stream.linear.scatter [tilespmem:s9], [sflag:$0x1], $0x800, $0x38;
	[tilespmem:$0x1200] =	vst v63  }
0x10b: {  	_ =	swait.ge [sflag:s8], $0x800  }
0x10c: {  	s31 =	sshrl.u32 s13, $0x2;
	[sflag:s8] =	ssyncset.done $0x0  }
0x10d: {  	s13 =	sadd.s32 s2, s31;
	[sflag:s8] =	ssyncadd.s32 $0xFFFFF800  }
0x10e: {  	[hbm4b:s13+s3] =	stream.linear.scatter [tilespmem:s10], [sflag:$0x1], $0x200, $0x38;
	[tilespmem:$0x1200] =	vst v63  }
0x10f: {  	s12 =	sadd.s32 $0x1, s12;
	_ =	swait.ge [sflag:s8], $0x200  }
0x110: {  	p0 =	sne.s32 s12, $0x4;
	v7 =	vld [tilespmem:$0x1FFF0]  }
.Ltmp1:
0x111: {  	_ = 	snop;
	(pc) =	sbr.rel @p0 .LBB2_2-.Ltmp1, $3  }
0x112: {  	_ =	sdelay $0x1  }
0x113: {  	[sflag:s8] =	ssyncset.done $0x0  }
0x114: {  	[sflag:s8] =	ssyncadd.s32 $0xFFFFFE00;
	vm4 =	vnez.u8 v7  }
0x115: {  	s11 =	sadd.s32 $0x1, s11  }
0x116: {  	p0 =	sne.s32 s11, s7  }
.Ltmp2:
0x117: {  	_ = 	snop;
	(pc) =	sbr.rel @p0 .LBB2_1-.Ltmp2, $1  }
0x118: {  	_ =	sdelay $0x3  }
0x119: {  	_ =	sfence.sel $0x180000  }
0x11a: {  	[bflag:$0x0] =	sbarrier.arrive $0xFFFF  }
0x11b: {  	p0 =	sne.s32 s4, $0x0;
	_ =	strace $0x90000047  }
0x11c: {  	s0 =	sadd.s32 @!p0 $0x100000, s1;
	[bflag:$0x2] =	sbarrier.arrive $0xFFFF  }
0x11d: {  	[sflag:s0] =	ssyncadd.tile.s32 @!p0 $0x1;
	_ =	shalt  }
.Lfunc_end2:
_tile_overlayer_lowered:
.L_overlay_start_2:
0x11e: {  	(tag) =	ssettag $0x2  }
0x11f: {  	s0 =	rddreg [dreg:$0x0];
	s2 =	stileid.u32  }
0x120: {  	s1 =	rddreg [dreg:$0x1];
	p0 =	sne.s32 s2, $0x0  }
0x121: {  	s3 =	rddreg [dreg:$0x2];
	[bflag:$0x3] =	sbarrier.arrive $0xFFFF;
	s2 =	simm.s32 @!p0 $0x1C01  }
0x122: {  	[timem:s3], [sflag:s2] =	dma.local @!p0 [hbm:s0], s1  }
0x123: {  	s0 =	simm.s32 @!p0 $0x1  }
0x124: {  	_ =	swait.ge @!p0 [sflag:s0], s1  }
0x125: {  	s1 =	ssub.s32 @!p0 $0x0, s1;
	[sflag:s0] =	ssyncset.done @!p0 $0x0  }
0x126: {  	[sflag:s0] =	ssyncadd.s32 @!p0 s1  }
0x127: {  	[bflag:$0x3] =	sbarrier.arrive $0xFFFF  }
0x128: {  	_ =	shalt  }

</sc_bundles>
